<compile_context>
chip_gen: v7x
topology: tpu7x:2x2x1
jax: 0.10.2.dev20260603
libtpu: 0.0.44.dev20260713+nightly
codegen_flags: <defaults>
</compile_context>

<pallas_src>
import numpy as np
import jax
import jax.numpy as jnp
from jax.experimental import pallas as pl
from jax.experimental.pallas import tpu as pltpu

_B, _A, _C = 64, 8732, 25
_RB = 2183
_L = 100
_NB = 64
_NEG_POS_RATIO = 3.0
_NEG_INF = float("-inf")


def _make_weights():
    wc = np.zeros((_L, 128), np.float32)
    ws = np.zeros((_L, 128), np.float32)
    wn = np.zeros((_L, 128), np.float32)
    wb = np.zeros((_L, 128), np.float32)
    for a in range(4):
        wc[25 * a:25 * a + 21, a] = -1.0
        ws[25 * a + 1:25 * a + 21, a] = 1.0
        wn[25 * a, a] = 1.0
        wb[a, 25 * a + 21:25 * a + 25] = 1.0
    return np.stack([wc, ws, wn, wb])


_WSTACK = _make_weights()


def _ssd_loss_kernel(yp_ref, yt_ref, w_ref, out_ref,
                     negv_ref, accl_ref, accp_ref, accn_ref):
    b = pl.program_id(0)

    @pl.when(b == 0)
    def _init():
        accl_ref[...] = jnp.zeros_like(accl_ref)
        accp_ref[...] = jnp.zeros_like(accp_ref)
        accn_ref[...] = jnp.zeros_like(accn_ref)
        negv_ref[...] = jnp.full_like(negv_ref, _NEG_INF)

    yp = yp_ref[0]
    yt = yt_ref[0]

    def dot(x, w, prec):
        return jax.lax.dot_general(
            x, w, (((1,), (0,)), ((), ())), precision=prec,
            preferred_element_type=jnp.float32)

    hi = jax.lax.Precision.HIGHEST
    df = jax.lax.Precision.DEFAULT

    mc = dot(yt * yp, w_ref[0], hi)
    g01 = jnp.where(yt > 0.0, 1.0, 0.0)
    z01 = jnp.where(yt == 0.0, 1.0, 0.0)
    mg = dot(g01, w_ref[1], df)
    mz = dot(z01, w_ref[1], df)
    mz0 = dot(z01, w_ref[2], df)

    col = jax.lax.broadcasted_iota(jnp.int32, (_RB, 128), 1)
    col4 = col < 4
    posb = jnp.logical_not((mg == 0.0) & (mz >= 1.0))
    pos01 = jnp.where(col4 & posb, 1.0, 0.0)

    mb = dot(pos01[:, :_L], w_ref[3], df)

    negv = jnp.where(col4 & (mz0 < 0.5), mc, _NEG_INF)
    wide = jnp.concatenate(
        [negv, jnp.full((_RB, 128), _NEG_INF, jnp.float32)], axis=1)
    rolled = pltpu.roll(wide, b * 4, axis=1)
    negv_ref[...] = jnp.maximum(negv_ref[...], rolled)

    d = jnp.where(mb[:, :_L] > 0.0, yp - yt, 0.0)
    ad = jnp.abs(d)
    accl_ref[...] += jnp.where(ad < 1.0, 0.5 * d * d, ad - 0.5)
    accp_ref[...] += pos01 * mc
    accn_ref[...] += pos01

    @pl.when(b == _NB - 1)
    def _finalize():
        n_pos = jnp.sum(accn_ref[...])
        pos_conf = jnp.sum(accp_ref[...])
        loc_sum = jnp.sum(accl_ref[...])
        vals = negv_ref[...]
        cnt_neg = jnp.sum(jnp.where(vals != _NEG_INF, 1.0, 0.0))
        k = jnp.minimum(jnp.floor(_NEG_POS_RATIO * n_pos), cnt_neg)

        def _topk_sum():
            iv = jax.lax.bitcast_convert_type(vals, jnp.int32)
            ikeys = jnp.where(iv >= 0, iv, iv ^ jnp.int32(0x7FFFFFFF))

            cnt_ge0 = jnp.sum((ikeys >= 0).astype(jnp.float32))
            prefix0 = jnp.where(cnt_ge0 >= k, jnp.int32(0),
                                jnp.int32(-2147483648))

            def body(i, prefix):
                bit = jax.lax.shift_left(jnp.int32(1), jnp.int32(30) - i)
                cand = prefix | bit
                cnt = jnp.sum((ikeys >= cand).astype(jnp.float32))
                return jnp.where(cnt >= k, cand, prefix)

            vkey = jax.lax.fori_loop(0, 31, body, prefix0)
            v = jnp.max(jnp.where(ikeys == vkey, vals, _NEG_INF))
            gt = ikeys > vkey
            cnt_gt = jnp.sum(jnp.where(gt, 1.0, 0.0))
            sum_gt = jnp.sum(jnp.where(gt, vals, 0.0))
            return sum_gt + (k - cnt_gt) * v

        topk = jax.lax.cond(k >= 1.0, _topk_sum, lambda: jnp.float32(0.0))
        total = pos_conf + topk + loc_sum
        out_ref[...] = jnp.full((1, 1), total / jnp.maximum(n_pos, 1.0),
                                jnp.float32)


def kernel(y_pred, y_true):
    yp2 = y_pred.reshape(_B, _RB, _L)
    yt2 = y_true.reshape(_B, _RB, _L)
    w = jnp.asarray(_WSTACK)
    out = pl.pallas_call(
        _ssd_loss_kernel,
        grid=(_NB,),
        in_specs=[
            pl.BlockSpec((1, _RB, _L), lambda b: (b, 0, 0)),
            pl.BlockSpec((1, _RB, _L), lambda b: (b, 0, 0)),
            pl.BlockSpec((4, _L, 128), lambda b: (0, 0, 0)),
        ],
        out_specs=pl.BlockSpec((1, 1), lambda b: (0, 0)),
        out_shape=jax.ShapeDtypeStruct((1, 1), jnp.float32),
        scratch_shapes=[
            pltpu.VMEM((_RB, 256), jnp.float32),
            pltpu.VMEM((_RB, _L), jnp.float32),
            pltpu.VMEM((_RB, 128), jnp.float32),
            pltpu.VMEM((_RB, 128), jnp.float32),
        ],
        compiler_params=pltpu.CompilerParams(
            dimension_semantics=("arbitrary",),
        ),
    )(yp2, yt2, w)
    return out[0, 0]

# --- scband reference (transcript-rebuilt; emitter-appended) ---
"""Pipeline reference for scband-ssdloss-3796751089676 (READ-ONLY COPY).

The authoritative reference and input builder live on the scoring server;
editing this copy changes nothing except your own understanding.
"""

import jax, jax.numpy as jnp
import numpy as np

ALPHA = 1.0
NEG_POS_RATIO = 3.0


def smooth_l1_sum(pred, true):
    d = pred - true
    ad = jnp.abs(d)
    l = jnp.where(ad < 1.0, 0.5 * d * d, ad - 0.5)
    return jnp.sum(l)


def setup_inputs(seed: int = 0) -> dict:
    key = jax.random.key(seed)
    k1, _ = jax.random.split(key)
    y_pred = jax.random.normal(k1, (64, 8732, 25), dtype=jnp.float32)
    y_true = jnp.zeros((64, 8732, 25), dtype=jnp.float32)
    return {"y_pred": y_pred, "y_true": y_true}


def reference(y_pred, y_true):
    pos_mask = jnp.max(y_true[:, :, 1:-4], axis=-1) != 0
    neg_mask = y_true[:, :, 0] != 0
    n_pos = jnp.sum(pos_mask)
    n_pos_boxes = jnp.maximum(n_pos, 1)

    # confidence loss
    conf = jnp.sum(-y_true[:, :, :-4] * y_pred[:, :, :-4], axis=-1)
    pos_conf_sum = jnp.sum(jnp.where(pos_mask, conf, 0.0))
    n_neg = (NEG_POS_RATIO * n_pos).astype(jnp.int32)
    cnt_neg = jnp.sum(neg_mask)
    neg_vals = jnp.where(neg_mask, conf, -jnp.inf).reshape(-1)
    sorted_neg = -jnp.sort(-neg_vals)
    ranks = jnp.arange(sorted_neg.shape[0])
    k = jnp.minimum(n_neg, cnt_neg)
    topk_sum = jnp.sum(jnp.where(ranks < k, sorted_neg, 0.0))
    conf_loss = pos_conf_sum + topk_sum

    # localization loss (SmoothL1, reduction='sum', beta=1.0)
    m = pos_mask[:, :, None]
    loc_loss = ALPHA * smooth_l1_sum(
        jnp.where(m, y_pred[:, :, -4:], 0.0),
        jnp.where(m, y_true[:, :, -4:], 0.0),
    )

    return (conf_loss + loc_loss) / n_pos_boxes

if __name__ == "__main__":
    import jax
    _d = setup_inputs()
    print(jax.jit(kernel)(*tuple(_d.values())))

</pallas_src>

<mosaic_0001>
module attributes {stable_mosaic.version = 14 : i64} {
  func.func @_ssd_loss_kernel(%arg0: i32, %arg1: memref<1x2183x100xf32, #tpu.memory_space<vmem>>, %arg2: memref<1x2183x100xf32, #tpu.memory_space<vmem>>, %arg3: memref<4x100x128xf32, #tpu.memory_space<vmem>>, %arg4: memref<1x1xf32, #tpu.memory_space<vmem>>, %arg5: memref<2183x256xf32, #tpu.memory_space<vmem>>, %arg6: memref<2183x100xf32, #tpu.memory_space<vmem>>, %arg7: memref<2183x128xf32, #tpu.memory_space<vmem>>, %arg8: memref<2183x128xf32, #tpu.memory_space<vmem>>) attributes {dimension_semantics = [#tpu.dimension_semantics<arbitrary>], iteration_bounds = array<i64: 64>, scalar_prefetch = 0 : i64, scratch_operands = 4 : i64, tpu.core_type = #tpu.core_type<tc>, window_params = [{transform_indices = @transform_0, window_bounds = array<i64: 1, 2183, 100>}, {transform_indices = @transform_1, window_bounds = array<i64: 1, 2183, 100>}, {pipeline_mode = #tpu.pipeline_mode<synchronous>, transform_indices = @transform_2, window_bounds = array<i64: 4, 100, 128>}, {pipeline_mode = #tpu.pipeline_mode<synchronous>, transform_indices = @transform_3, window_bounds = array<i64: 1, 1>}]} {
    %eq3A = arith.constant 0 : i32
    %eq3A_0 = arith.cmpi eq, %arg0, %eq3A : i32
    %convert_element_type3A = arith.extui %eq3A_0 : i1 to i32
    %cond3A = arith.constant 0 : i32
    %cond3A_1 = arith.cmpi ne, %convert_element_type3A, %cond3A : i32
    scf.if %cond3A_1 {
      %broadcast_in_dim3A_131 = arith.constant 0.000000e+00 : f32
      %broadcast_in_dim3A_132 = vector.broadcast %broadcast_in_dim3A_131 : f32 to vector<2183x100xf32>
      %swap3A_133 = arith.constant 0 : index
      %swap3A_134 = arith.constant 0 : index
      %swap3A_135 = vector.load %arg6[%swap3A_133, %swap3A_134] : memref<2183x100xf32, #tpu.memory_space<vmem>>, vector<2183x100xf32>
      tpu.vector_store %arg6[%swap3A_133, %swap3A_134], %broadcast_in_dim3A_132 {strides = array<i32>} : memref<2183x100xf32, #tpu.memory_space<vmem>>, vector<2183x100xf32>,
      %broadcast_in_dim3A_136 = arith.constant 0.000000e+00 : f32
      %broadcast_in_dim3A_137 = vector.broadcast %broadcast_in_dim3A_136 : f32 to vector<2183x128xf32>
      %swap3A_138 = arith.constant 0 : index
      %swap3A_139 = arith.constant 0 : index
      %swap3A_140 = vector.load %arg7[%swap3A_138, %swap3A_139] : memref<2183x128xf32, #tpu.memory_space<vmem>>, vector<2183x128xf32>
      tpu.vector_store %arg7[%swap3A_138, %swap3A_139], %broadcast_in_dim3A_137 {strides = array<i32>} : memref<2183x128xf32, #tpu.memory_space<vmem>>, vector<2183x128xf32>,
      %broadcast_in_dim3A_141 = arith.constant 0.000000e+00 : f32
      %broadcast_in_dim3A_142 = vector.broadcast %broadcast_in_dim3A_141 : f32 to vector<2183x128xf32>
      %swap3A_143 = arith.constant 0 : index
      %swap3A_144 = arith.constant 0 : index
      %swap3A_145 = vector.load %arg8[%swap3A_143, %swap3A_144] : memref<2183x128xf32, #tpu.memory_space<vmem>>, vector<2183x128xf32>
      tpu.vector_store %arg8[%swap3A_143, %swap3A_144], %broadcast_in_dim3A_142 {strides = array<i32>} : memref<2183x128xf32, #tpu.memory_space<vmem>>, vector<2183x128xf32>,
      %broadcast_in_dim3A_146 = arith.constant 0xFF800000 : f32
      %broadcast_in_dim3A_147 = vector.broadcast %broadcast_in_dim3A_146 : f32 to vector<2183x256xf32>
      %swap3A_148 = arith.constant 0 : index
      %swap3A_149 = arith.constant 0 : index
      %swap3A_150 = vector.load %arg5[%swap3A_148, %swap3A_149] : memref<2183x256xf32, #tpu.memory_space<vmem>>, vector<2183x256xf32>
      tpu.vector_store %arg5[%swap3A_148, %swap3A_149], %broadcast_in_dim3A_147 {strides = array<i32>} : memref<2183x256xf32, #tpu.memory_space<vmem>>, vector<2183x256xf32>,
    } else {
    }
    %get3A = arith.constant 0 : index
    %get3A_2 = arith.constant 0 : index
    %get3A_3 = arith.constant 0 : index
    %get3A_4 = vector.load %arg1[%get3A, %get3A_2, %get3A_3] : memref<1x2183x100xf32, #tpu.memory_space<vmem>>, vector<1x2183x100xf32>
    %get3A_5 = vector.shape_cast %get3A_4 : vector<1x2183x100xf32> to vector<2183x100xf32>
    %get3A_6 = arith.constant 0 : index
    %get3A_7 = arith.constant 0 : index
    %get3A_8 = arith.constant 0 : index
    %get3A_9 = vector.load %arg2[%get3A_6, %get3A_7, %get3A_8] : memref<1x2183x100xf32, #tpu.memory_space<vmem>>, vector<1x2183x100xf32>
    %get3A_10 = vector.shape_cast %get3A_9 : vector<1x2183x100xf32> to vector<2183x100xf32>
    %mul3A = arith.mulf %get3A_10, %get3A_5 : vector<2183x100xf32>
    %get3A_11 = arith.constant 0 : index
    %get3A_12 = arith.constant 0 : index
    %get3A_13 = arith.constant 0 : index
    %get3A_14 = vector.load %arg3[%get3A_11, %get3A_12, %get3A_13] : memref<4x100x128xf32, #tpu.memory_space<vmem>>, vector<1x100x128xf32>
    %get3A_15 = vector.shape_cast %get3A_14 : vector<1x100x128xf32> to vector<100x128xf32>
    %dot_general3A = arith.constant dense<0.000000e+00> : vector<2183x128xf32>
    %dot_general3A_16 = tpu.matmul %mul3A, %get3A_15, %dot_general3A {dimension_numbers = #tpu.dot_dimension_numbers<[1], [0], [0], [1], [0, 0, 1, 1], [], []>, precision = #tpu.contract_precision<fp32>, transpose_lhs_hint = false} : vector<2183x100xf32>, vector<100x128xf32>, vector<2183x128xf32> -> vector<2183x128xf32>
    %gt3A = arith.constant 0.000000e+00 : f32
    %gt3A_17 = vector.broadcast %gt3A : f32 to vector<2183x100xf32>
    %gt3A_18 = arith.cmpf ogt, %get3A_10, %gt3A_17 : vector<2183x100xf32>
    %jit3A = arith.constant 1.000000e+00 : f32
    %jit3A_19 = arith.constant 0.000000e+00 : f32
    %broadcast_in_dim3A = vector.broadcast %jit3A : f32 to vector<2183x100xf32>
    %broadcast_in_dim3A_20 = vector.broadcast %jit3A_19 : f32 to vector<2183x100xf32>
    %select_n3A = arith.select %gt3A_18, %broadcast_in_dim3A, %broadcast_in_dim3A_20 : vector<2183x100xi1>, vector<2183x100xf32>
    %eq3A_21 = arith.constant 0.000000e+00 : f32
    %eq3A_22 = vector.broadcast %eq3A_21 : f32 to vector<2183x100xf32>
    %eq3A_23 = arith.cmpf oeq, %get3A_10, %eq3A_22 : vector<2183x100xf32>
    %jit3A_24 = arith.constant 1.000000e+00 : f32
    %jit3A_25 = arith.constant 0.000000e+00 : f32
    %broadcast_in_dim3A_26 = vector.broadcast %jit3A_24 : f32 to vector<2183x100xf32>
    %broadcast_in_dim3A_27 = vector.broadcast %jit3A_25 : f32 to vector<2183x100xf32>
    %select_n3A_28 = arith.select %eq3A_23, %broadcast_in_dim3A_26, %broadcast_in_dim3A_27 : vector<2183x100xi1>, vector<2183x100xf32>
    %get3A_29 = arith.constant 1 : index
    %get3A_30 = arith.constant 0 : index
    %get3A_31 = arith.constant 0 : index
    %get3A_32 = vector.load %arg3[%get3A_29, %get3A_30, %get3A_31] : memref<4x100x128xf32, #tpu.memory_space<vmem>>, vector<1x100x128xf32>
    %get3A_33 = vector.shape_cast %get3A_32 : vector<1x100x128xf32> to vector<100x128xf32>
    %dot_general3A_34 = arith.constant dense<0.000000e+00> : vector<2183x128xf32>
    %dot_general3A_35 = tpu.matmul %select_n3A, %get3A_33, %dot_general3A_34 {dimension_numbers = #tpu.dot_dimension_numbers<[1], [0], [0], [1], [0, 0, 1, 1], [], []>, transpose_lhs_hint = false} : vector<2183x100xf32>, vector<100x128xf32>, vector<2183x128xf32> -> vector<2183x128xf32>
    %get3A_36 = arith.constant 1 : index
    %get3A_37 = arith.constant 0 : index
    %get3A_38 = arith.constant 0 : index
    %get3A_39 = vector.load %arg3[%get3A_36, %get3A_37, %get3A_38] : memref<4x100x128xf32, #tpu.memory_space<vmem>>, vector<1x100x128xf32>
    %get3A_40 = vector.shape_cast %get3A_39 : vector<1x100x128xf32> to vector<100x128xf32>
    %dot_general3A_41 = arith.constant dense<0.000000e+00> : vector<2183x128xf32>
    %dot_general3A_42 = tpu.matmul %select_n3A_28, %get3A_40, %dot_general3A_41 {dimension_numbers = #tpu.dot_dimension_numbers<[1], [0], [0], [1], [0, 0, 1, 1], [], []>, transpose_lhs_hint = false} : vector<2183x100xf32>, vector<100x128xf32>, vector<2183x128xf32> -> vector<2183x128xf32>
    %get3A_43 = arith.constant 2 : index
    %get3A_44 = arith.constant 0 : index
    %get3A_45 = arith.constant 0 : index
    %get3A_46 = vector.load %arg3[%get3A_43, %get3A_44, %get3A_45] : memref<4x100x128xf32, #tpu.memory_space<vmem>>, vector<1x100x128xf32>
    %get3A_47 = vector.shape_cast %get3A_46 : vector<1x100x128xf32> to vector<100x128xf32>
    %dot_general3A_48 = arith.constant dense<0.000000e+00> : vector<2183x128xf32>
    %dot_general3A_49 = tpu.matmul %select_n3A_28, %get3A_47, %dot_general3A_48 {dimension_numbers = #tpu.dot_dimension_numbers<[1], [0], [0], [1], [0, 0, 1, 1], [], []>, transpose_lhs_hint = false} : vector<2183x100xf32>, vector<100x128xf32>, vector<2183x128xf32> -> vector<2183x128xf32>
    %iota3A = tpu.iota {dimensions = array<i32: 1>} : vector<2183x128xi32>
    %lt3A = arith.constant 4 : i32
    %lt3A_50 = vector.broadcast %lt3A : i32 to vector<2183x128xi32>
    %lt3A_51 = arith.cmpi slt, %iota3A, %lt3A_50 : vector<2183x128xi32>
    %eq3A_52 = arith.constant 0.000000e+00 : f32
    %eq3A_53 = vector.broadcast %eq3A_52 : f32 to vector<2183x128xf32>
    %eq3A_54 = arith.cmpf oeq, %dot_general3A_35, %eq3A_53 : vector<2183x128xf32>
    %ge3A = arith.constant 1.000000e+00 : f32
    %ge3A_55 = vector.broadcast %ge3A : f32 to vector<2183x128xf32>
    %ge3A_56 = arith.cmpf oge, %dot_general3A_42, %ge3A_55 : vector<2183x128xf32>
    %and3A = arith.andi %eq3A_54, %ge3A_56 : vector<2183x128xi1>
    %not3A = arith.constant dense<true> : vector<2183x128xi1>
    %not3A_57 = arith.xori %and3A, %not3A : vector<2183x128xi1>
    %and3A_58 = arith.andi %lt3A_51, %not3A_57 : vector<2183x128xi1>
    %jit3A_59 = arith.constant 1.000000e+00 : f32
    %jit3A_60 = arith.constant 0.000000e+00 : f32
    %broadcast_in_dim3A_61 = vector.broadcast %jit3A_59 : f32 to vector<2183x128xf32>
    %broadcast_in_dim3A_62 = vector.broadcast %jit3A_60 : f32 to vector<2183x128xf32>
    %select_n3A_63 = arith.select %and3A_58, %broadcast_in_dim3A_61, %broadcast_in_dim3A_62 : vector<2183x128xi1>, vector<2183x128xf32>
    %slice3A = vector.extract_strided_slice %select_n3A_63 {offsets = [0, 0], sizes = [2183, 100], strides = [1, 1]} : vector<2183x128xf32> to vector<2183x100xf32>
    %get3A_64 = arith.constant 3 : index
    %get3A_65 = arith.constant 0 : index
    %get3A_66 = arith.constant 0 : index
    %get3A_67 = vector.load %arg3[%get3A_64, %get3A_65, %get3A_66] : memref<4x100x128xf32, #tpu.memory_space<vmem>>, vector<1x100x128xf32>
    %get3A_68 = vector.shape_cast %get3A_67 : vector<1x100x128xf32> to vector<100x128xf32>
    %dot_general3A_69 = arith.constant dense<0.000000e+00> : vector<2183x128xf32>
    %dot_general3A_70 = tpu.matmul %slice3A, %get3A_68, %dot_general3A_69 {dimension_numbers = #tpu.dot_dimension_numbers<[1], [0], [0], [1], [0, 0, 1, 1], [], []>, transpose_lhs_hint = false} : vector<2183x100xf32>, vector<100x128xf32>, vector<2183x128xf32> -> vector<2183x128xf32>
    %lt3A_71 = arith.constant 5.000000e-01 : f32
    %lt3A_72 = vector.broadcast %lt3A_71 : f32 to vector<2183x128xf32>
    %lt3A_73 = arith.cmpf olt, %dot_general3A_49, %lt3A_72 : vector<2183x128xf32>
    %and3A_74 = arith.andi %lt3A_51, %lt3A_73 : vector<2183x128xi1>
    %jit3A_75 = arith.constant 0xFF800000 : f32
    %broadcast_in_dim3A_76 = vector.broadcast %jit3A_75 : f32 to vector<2183x128xf32>
    %select_n3A_77 = arith.select %and3A_74, %dot_general3A_16, %broadcast_in_dim3A_76 : vector<2183x128xi1>, vector<2183x128xf32>
    %broadcast_in_dim3A_78 = arith.constant 0xFF800000 : f32
    %broadcast_in_dim3A_79 = vector.broadcast %broadcast_in_dim3A_78 : f32 to vector<2183x128xf32>
    %concatenate3A = tpu.concatenate %select_n3A_77, %broadcast_in_dim3A_79 in 1 : vector<2183x128xf32>, vector<2183x128xf32> -> vector<2183x256xf32>
    %mul3A_80 = arith.constant 4 : i32
    %mul3A_81 = arith.muli %arg0, %mul3A_80 : i32
    %roll3A = tpu.dynamic_rotate %concatenate3A by %mul3A_81 dim 1 : vector<2183x256xf32>, i32 -> vector<2183x256xf32>
    %get3A_82 = arith.constant 0 : index
    %get3A_83 = arith.constant 0 : index
    %get3A_84 = vector.load %arg5[%get3A_82, %get3A_83] : memref<2183x256xf32, #tpu.memory_space<vmem>>, vector<2183x256xf32>
    %max3A = arith.maximumf %get3A_84, %roll3A : vector<2183x256xf32>
    %swap3A = arith.constant 0 : index
    %swap3A_85 = arith.constant 0 : index
    %swap3A_86 = vector.load %arg5[%swap3A, %swap3A_85] : memref<2183x256xf32, #tpu.memory_space<vmem>>, vector<2183x256xf32>
    tpu.vector_store %arg5[%swap3A, %swap3A_85], %max3A {strides = array<i32>} : memref<2183x256xf32, #tpu.memory_space<vmem>>, vector<2183x256xf32>,
    %slice3A_87 = vector.extract_strided_slice %dot_general3A_70 {offsets = [0, 0], sizes = [2183, 100], strides = [1, 1]} : vector<2183x128xf32> to vector<2183x100xf32>
    %gt3A_88 = arith.constant 0.000000e+00 : f32
    %gt3A_89 = vector.broadcast %gt3A_88 : f32 to vector<2183x100xf32>
    %gt3A_90 = arith.cmpf ogt, %slice3A_87, %gt3A_89 : vector<2183x100xf32>
    %sub3A = arith.subf %get3A_5, %get3A_10 : vector<2183x100xf32>
    %jit3A_91 = arith.constant 0.000000e+00 : f32
    %broadcast_in_dim3A_92 = vector.broadcast %jit3A_91 : f32 to vector<2183x100xf32>
    %select_n3A_93 = arith.select %gt3A_90, %sub3A, %broadcast_in_dim3A_92 : vector<2183x100xi1>, vector<2183x100xf32>
    %abs3A = math.absf %select_n3A_93 : vector<2183x100xf32>
    %get3A_94 = arith.constant 0 : index
    %get3A_95 = arith.constant 0 : index
    %get3A_96 = vector.load %arg6[%get3A_94, %get3A_95] : memref<2183x100xf32, #tpu.memory_space<vmem>>, vector<2183x100xf32>
    %lt3A_97 = arith.constant 1.000000e+00 : f32
    %lt3A_98 = vector.broadcast %lt3A_97 : f32 to vector<2183x100xf32>
    %lt3A_99 = arith.cmpf olt, %abs3A, %lt3A_98 : vector<2183x100xf32>
    %mul3A_100 = arith.constant 5.000000e-01 : f32
    %mul3A_101 = vector.broadcast %mul3A_100 : f32 to vector<2183x100xf32>
    %mul3A_102 = arith.mulf %mul3A_101, %select_n3A_93 : vector<2183x100xf32>
    %mul3A_103 = arith.mulf %mul3A_102, %select_n3A_93 : vector<2183x100xf32>
    %sub3A_104 = arith.constant 5.000000e-01 : f32
    %sub3A_105 = vector.broadcast %sub3A_104 : f32 to vector<2183x100xf32>
    %sub3A_106 = arith.subf %abs3A, %sub3A_105 : vector<2183x100xf32>
    %select_n3A_107 = arith.select %lt3A_99, %mul3A_103, %sub3A_106 : vector<2183x100xi1>, vector<2183x100xf32>
    %add3A = arith.addf %get3A_96, %select_n3A_107 : vector<2183x100xf32>
    %swap3A_108 = arith.constant 0 : index
    %swap3A_109 = arith.constant 0 : index
    %swap3A_110 = vector.load %arg6[%swap3A_108, %swap3A_109] : memref<2183x100xf32, #tpu.memory_space<vmem>>, vector<2183x100xf32>
    tpu.vector_store %arg6[%swap3A_108, %swap3A_109], %add3A {strides = array<i32>} : memref<2183x100xf32, #tpu.memory_space<vmem>>, vector<2183x100xf32>,
    %get3A_111 = arith.constant 0 : index
    %get3A_112 = arith.constant 0 : index
    %get3A_113 = vector.load %arg7[%get3A_111, %get3A_112] : memref<2183x128xf32, #tpu.memory_space<vmem>>, vector<2183x128xf32>
    %mul3A_114 = arith.mulf %select_n3A_63, %dot_general3A_16 : vector<2183x128xf32>
    %add3A_115 = arith.addf %get3A_113, %mul3A_114 : vector<2183x128xf32>
    %swap3A_116 = arith.constant 0 : index
    %swap3A_117 = arith.constant 0 : index
    %swap3A_118 = vector.load %arg7[%swap3A_116, %swap3A_117] : memref<2183x128xf32, #tpu.memory_space<vmem>>, vector<2183x128xf32>
    tpu.vector_store %arg7[%swap3A_116, %swap3A_117], %add3A_115 {strides = array<i32>} : memref<2183x128xf32, #tpu.memory_space<vmem>>, vector<2183x128xf32>,
    %get3A_119 = arith.constant 0 : index
    %get3A_120 = arith.constant 0 : index
    %get3A_121 = vector.load %arg8[%get3A_119, %get3A_120] : memref<2183x128xf32, #tpu.memory_space<vmem>>, vector<2183x128xf32>
    %add3A_122 = arith.addf %get3A_121, %select_n3A_63 : vector<2183x128xf32>
    %swap3A_123 = arith.constant 0 : index
    %swap3A_124 = arith.constant 0 : index
    %swap3A_125 = vector.load %arg8[%swap3A_123, %swap3A_124] : memref<2183x128xf32, #tpu.memory_space<vmem>>, vector<2183x128xf32>
    tpu.vector_store %arg8[%swap3A_123, %swap3A_124], %add3A_122 {strides = array<i32>} : memref<2183x128xf32, #tpu.memory_space<vmem>>, vector<2183x128xf32>,
    %eq3A_126 = arith.constant 63 : i32
    %eq3A_127 = arith.cmpi eq, %arg0, %eq3A_126 : i32
    %convert_element_type3A_128 = arith.extui %eq3A_127 : i1 to i32
    %cond3A_129 = arith.constant 0 : i32
    %cond3A_130 = arith.cmpi ne, %convert_element_type3A_128, %cond3A_129 : i32
    scf.if %cond3A_130 {
      %get3A_131 = arith.constant 0 : index
      %get3A_132 = arith.constant 0 : index
      %get3A_133 = vector.load %arg8[%get3A_131, %get3A_132] : memref<2183x128xf32, #tpu.memory_space<vmem>>, vector<2183x128xf32>
      %reduce_sum3A = vector.shape_cast %get3A_133 : vector<2183x128xf32> to vector<1x2183x128xf32>
      %reduce_sum3A_134 = arith.constant dense<0.000000e+00> : vector<1xf32>
      %reduce_sum3A_135 = vector.multi_reduction <add>, %reduce_sum3A, %reduce_sum3A_134 [1, 2] : vector<1x2183x128xf32> to vector<1xf32>
      %reduce_sum3A_136 = vector.shape_cast %reduce_sum3A_135 : vector<1xf32> to vector<1x1x1xf32>
      %reduce_sum3A_137 = vector.extract %reduce_sum3A_136[0, 0, 0] : f32 from vector<1x1x1xf32>
      %get3A_138 = arith.constant 0 : index
      %get3A_139 = arith.constant 0 : index
      %get3A_140 = vector.load %arg7[%get3A_138, %get3A_139] : memref<2183x128xf32, #tpu.memory_space<vmem>>, vector<2183x128xf32>
      %reduce_sum3A_141 = vector.shape_cast %get3A_140 : vector<2183x128xf32> to vector<1x2183x128xf32>
      %reduce_sum3A_142 = arith.constant dense<0.000000e+00> : vector<1xf32>
      %reduce_sum3A_143 = vector.multi_reduction <add>, %reduce_sum3A_141, %reduce_sum3A_142 [1, 2] : vector<1x2183x128xf32> to vector<1xf32>
      %reduce_sum3A_144 = vector.shape_cast %reduce_sum3A_143 : vector<1xf32> to vector<1x1x1xf32>
      %reduce_sum3A_145 = vector.extract %reduce_sum3A_144[0, 0, 0] : f32 from vector<1x1x1xf32>
      %get3A_146 = arith.constant 0 : index
      %get3A_147 = arith.constant 0 : index
      %get3A_148 = vector.load %arg6[%get3A_146, %get3A_147] : memref<2183x100xf32, #tpu.memory_space<vmem>>, vector<2183x100xf32>
      %reduce_sum3A_149 = vector.shape_cast %get3A_148 : vector<2183x100xf32> to vector<1x2183x100xf32>
      %reduce_sum3A_150 = arith.constant dense<0.000000e+00> : vector<1xf32>
      %reduce_sum3A_151 = vector.multi_reduction <add>, %reduce_sum3A_149, %reduce_sum3A_150 [1, 2] : vector<1x2183x100xf32> to vector<1xf32>
      %reduce_sum3A_152 = vector.shape_cast %reduce_sum3A_151 : vector<1xf32> to vector<1x1x1xf32>
      %reduce_sum3A_153 = vector.extract %reduce_sum3A_152[0, 0, 0] : f32 from vector<1x1x1xf32>
      %get3A_154 = arith.constant 0 : index
      %get3A_155 = arith.constant 0 : index
      %get3A_156 = vector.load %arg5[%get3A_154, %get3A_155] : memref<2183x256xf32, #tpu.memory_space<vmem>>, vector<2183x256xf32>
      %ne3A = arith.constant 0xFF800000 : f32
      %ne3A_157 = vector.broadcast %ne3A : f32 to vector<2183x256xf32>
      %ne3A_158 = arith.cmpf one, %get3A_156, %ne3A_157 : vector<2183x256xf32>
      %jit3A_159 = arith.constant 1.000000e+00 : f32
      %jit3A_160 = arith.constant 0.000000e+00 : f32
      %broadcast_in_dim3A_161 = vector.broadcast %jit3A_159 : f32 to vector<2183x256xf32>
      %broadcast_in_dim3A_162 = vector.broadcast %jit3A_160 : f32 to vector<2183x256xf32>
      %select_n3A_163 = arith.select %ne3A_158, %broadcast_in_dim3A_161, %broadcast_in_dim3A_162 : vector<2183x256xi1>, vector<2183x256xf32>
      %reduce_sum3A_164 = vector.shape_cast %select_n3A_163 : vector<2183x256xf32> to vector<1x2183x256xf32>
      %reduce_sum3A_165 = arith.constant dense<0.000000e+00> : vector<1xf32>
      %reduce_sum3A_166 = vector.multi_reduction <add>, %reduce_sum3A_164, %reduce_sum3A_165 [1, 2] : vector<1x2183x256xf32> to vector<1xf32>
      %reduce_sum3A_167 = vector.shape_cast %reduce_sum3A_166 : vector<1xf32> to vector<1x1x1xf32>
      %reduce_sum3A_168 = vector.extract %reduce_sum3A_167[0, 0, 0] : f32 from vector<1x1x1xf32>
      %mul3A_169 = arith.constant 3.000000e+00 : f32
      %mul3A_170 = arith.mulf %mul3A_169, %reduce_sum3A_137 : f32
      %floor3A = math.floor %mul3A_170 : f32
      %min3A = arith.minimumf %floor3A, %reduce_sum3A_168 : f32
      %ge3A_171 = arith.constant 1.000000e+00 : f32
      %ge3A_172 = arith.cmpf oge, %min3A, %ge3A_171 : f32
      %convert_element_type3A_173 = arith.extui %ge3A_172 : i1 to i32
      %cond3A_174 = arith.constant 0 : i32
      %cond3A_175 = arith.cmpi ne, %convert_element_type3A_173, %cond3A_174 : i32
      %cond3A_176 = scf.if %cond3A_175 -> (f32) {
        %bitcast_convert_type3A = tpu.bitcast %get3A_156 : vector<2183x256xf32> -> vector<2183x256xi32>
        %ge3A_185 = arith.constant 0 : i32
        %ge3A_186 = vector.broadcast %ge3A_185 : i32 to vector<2183x256xi32>
        %ge3A_187 = arith.cmpi sge, %bitcast_convert_type3A, %ge3A_186 : vector<2183x256xi32>
        %xor3A = arith.constant 2147483647 : i32
        %xor3A_188 = vector.broadcast %xor3A : i32 to vector<2183x256xi32>
        %xor3A_189 = arith.xori %bitcast_convert_type3A, %xor3A_188 : vector<2183x256xi32>
        %select_n3A_190 = arith.select %ge3A_187, %bitcast_convert_type3A, %xor3A_189 : vector<2183x256xi1>, vector<2183x256xi32>
        %ge3A_191 = arith.constant 0 : i32
        %ge3A_192 = vector.broadcast %ge3A_191 : i32 to vector<2183x256xi32>
        %ge3A_193 = arith.cmpi sge, %select_n3A_190, %ge3A_192 : vector<2183x256xi32>
        %convert_element_type3A_194 = arith.extui %ge3A_193 : vector<2183x256xi1> to vector<2183x256xi32>
        %convert_element_type3A_195 = arith.sitofp %convert_element_type3A_194 : vector<2183x256xi32> to vector<2183x256xf32>
        %reduce_sum3A_196 = vector.shape_cast %convert_element_type3A_195 : vector<2183x256xf32> to vector<1x2183x256xf32>
        %reduce_sum3A_197 = arith.constant dense<0.000000e+00> : vector<1xf32>
        %reduce_sum3A_198 = vector.multi_reduction <add>, %reduce_sum3A_196, %reduce_sum3A_197 [1, 2] : vector<1x2183x256xf32> to vector<1xf32>
        %reduce_sum3A_199 = vector.shape_cast %reduce_sum3A_198 : vector<1xf32> to vector<1x1x1xf32>
        %reduce_sum3A_200 = vector.extract %reduce_sum3A_199[0, 0, 0] : f32 from vector<1x1x1xf32>
        %ge3A_201 = arith.cmpf oge, %reduce_sum3A_200, %min3A : f32
        %jit3A_202 = arith.constant 0 : i32
        %jit3A_203 = arith.constant -2147483648 : i32
        %select_n3A_204 = arith.select %ge3A_201, %jit3A_202, %jit3A_203 : i32
        %scan3A = arith.constant 0 : i32
        %scan3A_205 = arith.constant 31 : i32
        %scan3A_206 = arith.addi %scan3A, %scan3A_205 : i32
        %scan3A_207 = arith.constant 1 : i32
        %scan3A_208 = scf.for %scan3A_242 = %scan3A to %scan3A_206 step %scan3A_207 iter_args(%scan3A_243 = %select_n3A_204) -> (i32)  : i32 {
          %sub3A_244 = arith.constant 30 : i32
          %sub3A_245 = arith.subi %sub3A_244, %scan3A_242 : i32
          %shift_left3A = arith.constant 1 : i32
          %shift_left3A_246 = arith.shli %shift_left3A, %sub3A_245 : i32
          %or3A = arith.ori %scan3A_243, %shift_left3A_246 : i32
          %ge3A_247 = vector.broadcast %or3A : i32 to vector<2183x256xi32>
          %ge3A_248 = arith.cmpi sge, %select_n3A_190, %ge3A_247 : vector<2183x256xi32>
          %convert_element_type3A_249 = arith.extui %ge3A_248 : vector<2183x256xi1> to vector<2183x256xi32>
          %convert_element_type3A_250 = arith.sitofp %convert_element_type3A_249 : vector<2183x256xi32> to vector<2183x256xf32>
          %reduce_sum3A_251 = vector.shape_cast %convert_element_type3A_250 : vector<2183x256xf32> to vector<1x2183x256xf32>
          %reduce_sum3A_252 = arith.constant dense<0.000000e+00> : vector<1xf32>
          %reduce_sum3A_253 = vector.multi_reduction <add>, %reduce_sum3A_251, %reduce_sum3A_252 [1, 2] : vector<1x2183x256xf32> to vector<1xf32>
          %reduce_sum3A_254 = vector.shape_cast %reduce_sum3A_253 : vector<1xf32> to vector<1x1x1xf32>
          %reduce_sum3A_255 = vector.extract %reduce_sum3A_254[0, 0, 0] : f32 from vector<1x1x1xf32>
          %ge3A_256 = arith.cmpf oge, %reduce_sum3A_255, %min3A : f32
          %select_n3A_257 = arith.select %ge3A_256, %or3A, %scan3A_243 : i32
          scf.yield %select_n3A_257 : i32
        }
        %scan3A_209 = arith.constant 31 : i32
        %eq3A_210 = vector.broadcast %scan3A_208 : i32 to vector<2183x256xi32>
        %eq3A_211 = arith.cmpi eq, %select_n3A_190, %eq3A_210 : vector<2183x256xi32>
        %jit3A_212 = arith.constant 0xFF800000 : f32
        %broadcast_in_dim3A_213 = vector.broadcast %jit3A_212 : f32 to vector<2183x256xf32>
        %select_n3A_214 = arith.select %eq3A_211, %get3A_156, %broadcast_in_dim3A_213 : vector<2183x256xi1>, vector<2183x256xf32>
        %reduce_max3A = vector.shape_cast %select_n3A_214 : vector<2183x256xf32> to vector<1x2183x256xf32>
        %reduce_max3A_215 = arith.constant dense<0xFF800000> : vector<1xf32>
        %reduce_max3A_216 = vector.multi_reduction <maximumf>, %reduce_max3A, %reduce_max3A_215 [1, 2] : vector<1x2183x256xf32> to vector<1xf32>
        %reduce_max3A_217 = vector.shape_cast %reduce_max3A_216 : vector<1xf32> to vector<1x1x1xf32>
        %reduce_max3A_218 = vector.extract %reduce_max3A_217[0, 0, 0] : f32 from vector<1x1x1xf32>
        %gt3A_219 = vector.broadcast %scan3A_208 : i32 to vector<2183x256xi32>
        %gt3A_220 = arith.cmpi sgt, %select_n3A_190, %gt3A_219 : vector<2183x256xi32>
        %jit3A_221 = arith.constant 1.000000e+00 : f32
        %jit3A_222 = arith.constant 0.000000e+00 : f32
        %broadcast_in_dim3A_223 = vector.broadcast %jit3A_221 : f32 to vector<2183x256xf32>
        %broadcast_in_dim3A_224 = vector.broadcast %jit3A_222 : f32 to vector<2183x256xf32>
        %select_n3A_225 = arith.select %gt3A_220, %broadcast_in_dim3A_223, %broadcast_in_dim3A_224 : vector<2183x256xi1>, vector<2183x256xf32>
        %reduce_sum3A_226 = vector.shape_cast %select_n3A_225 : vector<2183x256xf32> to vector<1x2183x256xf32>
        %reduce_sum3A_227 = arith.constant dense<0.000000e+00> : vector<1xf32>
        %reduce_sum3A_228 = vector.multi_reduction <add>, %reduce_sum3A_226, %reduce_sum3A_227 [1, 2] : vector<1x2183x256xf32> to vector<1xf32>
        %reduce_sum3A_229 = vector.shape_cast %reduce_sum3A_228 : vector<1xf32> to vector<1x1x1xf32>
        %reduce_sum3A_230 = vector.extract %reduce_sum3A_229[0, 0, 0] : f32 from vector<1x1x1xf32>
        %jit3A_231 = arith.constant 0.000000e+00 : f32
        %broadcast_in_dim3A_232 = vector.broadcast %jit3A_231 : f32 to vector<2183x256xf32>
        %select_n3A_233 = arith.select %gt3A_220, %get3A_156, %broadcast_in_dim3A_232 : vector<2183x256xi1>, vector<2183x256xf32>
        %reduce_sum3A_234 = vector.shape_cast %select_n3A_233 : vector<2183x256xf32> to vector<1x2183x256xf32>
        %reduce_sum3A_235 = arith.constant dense<0.000000e+00> : vector<1xf32>
        %reduce_sum3A_236 = vector.multi_reduction <add>, %reduce_sum3A_234, %reduce_sum3A_235 [1, 2] : vector<1x2183x256xf32> to vector<1xf32>
        %reduce_sum3A_237 = vector.shape_cast %reduce_sum3A_236 : vector<1xf32> to vector<1x1x1xf32>
        %reduce_sum3A_238 = vector.extract %reduce_sum3A_237[0, 0, 0] : f32 from vector<1x1x1xf32>
        %sub3A_239 = arith.subf %min3A, %reduce_sum3A_230 : f32
        %mul3A_240 = arith.mulf %sub3A_239, %reduce_max3A_218 : f32
        %add3A_241 = arith.addf %reduce_sum3A_238, %mul3A_240 : f32
        scf.yield %add3A_241 : f32
      } else {
        %cond3A_185 = arith.constant 0.000000e+00 : f32
        scf.yield %cond3A_185 : f32
      }
      %add3A_177 = arith.addf %reduce_sum3A_145, %cond3A_176 : f32
      %add3A_178 = arith.addf %add3A_177, %reduce_sum3A_153 : f32
      %max3A_179 = arith.constant 1.000000e+00 : f32
      %max3A_180 = arith.maximumf %reduce_sum3A_137, %max3A_179 : f32
      %div3A = arith.divf %add3A_178, %max3A_180 : f32
      %broadcast_in_dim3A_181 = vector.broadcast %div3A : f32 to vector<1x1xf32>
      %swap3A_182 = arith.constant 0 : index
      %swap3A_183 = arith.constant 0 : index
      %swap3A_184 = vector.load %arg4[%swap3A_182, %swap3A_183] : memref<1x1xf32, #tpu.memory_space<vmem>>, vector<1x1xf32>
      tpu.vector_store %arg4[%swap3A_182, %swap3A_183], %broadcast_in_dim3A_181 {strides = array<i32>} : memref<1x1xf32, #tpu.memory_space<vmem>>, vector<1x1xf32>,
    } else {
    }
    return
  }
  func.func @transform_0(%arg0: i32) -> (i32, i32, i32) {
    %c0_i32 = arith.constant 0 : i32
    %c0_i32_0 = arith.constant 0 : i32
    %c0_i32_1 = arith.constant 0 : i32
    return %arg0, %c0_i32, %c0_i32_0 : i32, i32, i32
  }
  func.func @transform_1(%arg0: i32) -> (i32, i32, i32) {
    %c0_i32 = arith.constant 0 : i32
    %c0_i32_0 = arith.constant 0 : i32
    %c0_i32_1 = arith.constant 0 : i32
    return %arg0, %c0_i32, %c0_i32_0 : i32, i32, i32
  }
  func.func @transform_2(%arg0: i32) -> (i32, i32, i32) {
    %c0_i32 = arith.constant 0 : i32
    %c0_i32_0 = arith.constant 0 : i32
    %c0_i32_1 = arith.constant 0 : i32
    %c0_i32_2 = arith.constant 0 : i32
    return %c0_i32, %c0_i32_0, %c0_i32_1 : i32, i32, i32
  }
  func.func @transform_3(%arg0: i32) -> (i32, i32) {
    %c0_i32 = arith.constant 0 : i32
    %c0_i32_0 = arith.constant 0 : i32
    %c0_i32_1 = arith.constant 0 : i32
    return %c0_i32, %c0_i32_0 : i32, i32
  }
}

</mosaic_0001>

<sc_bundles>
// kernel: sparse-core-data-format-call.1.cloned.1.call-start
scs
called_computation.1_lowered:
.L_overlay_start_0:
0x0: {  	s2 =	sld [smem:$0x3FD9]  }
0x1: {  	s3 =	sld [smem:$0x3FFE];
	_ =	sdelay $0x1  }
0x2: {  	s1 =	srdreg.scid  }
0x3: {  	s0 =	sand.u32 $0x1, s1  }
0x4: {  	s18 =	sshll.u32 s0, $0xA;
	s2 =	sadd.s32 s3, s2  }
0x5: {  	s2 =	sadd.s32 s2, s18  }
0x6: {  	[smem:$0x3FC6] =	sst s2  }
0x7: {  	_ = 	snop  }
0x8: {  	s2 =	sld [smem:$0x3FC9];
	(tm) =	ssettm $0x1  }
0x9: {  	s19 =	sld [smem:$0x3FFB];
	_ =	sdelay $0x3  }
0xa: {  	_ =	strace s19  }
0xb: {  	s3 =	sld [smem:$0x3FFC];
	_ =	sdelay $0x3  }
0xc: {  	_ =	strace s3  }
0xd: {  	s3 =	sld [smem:$0x3FFD];
	_ =	sdelay $0x3  }
0xe: {  	_ =	strace s3  }
0xf: {  	_ =	strace $0x8FFFFFFF  }
0x10: {  	s20 =	sld [smem:$0x3FDB];
	_ =	sdelay $0x1  }
0x11: {  	s4 =	simm.s32 $_scs_section_size  }
0x12: {  	s5 =	simm.s32 $_size__tile_overlayer_lowered;
	s6 =	simm.s32 $_tile_overlayer_lowered  }
0x13: {  	s23 =	simm.s32 $0x1BFF;
	s22 =	sshll.u32 s6, $0x1;
	s3 =	sadd.s32 s4, s20  }
0x14: {  	s7 =	simm.s32 $0x0;
	s21 =	sshll.u32 s5, $0x1;
	s5 =	sadd.s32 s22, s3  }
0x15: {  	[timem:s7], [sflag:s23] =	dma.local [hbm:s5], s21  }
0x16: {  	_ =	swait.ge [sflag:s23], s21  }
0x17: {  	s4 =	ssub.s32 $0x0, s21;
	[sflag:s23] =	ssyncset.done $0x0  }
0x18: {  	[sflag:s23] =	ssyncadd.s32 s4;
	_ =	sdelay $0x1  }
0x19: {  	s24 =	simm.s32 $0x1B8B  }
0x1a: {  	_ =	swait.ge [sflag:s24], $0x1  }
0x1b: {  	[sflag:s24] =	ssyncset.done $0x0  }
0x1c: {  	s26 =	simm.s32 $0x1B8E;
	s25 =	sld [smem:$0x3FFE];
	[sflag:s24] =	ssyncadd.s32 $0xFFFFFFFF  }
0x1d: {  	s27 =	simm.s32 $execute0_lowered;
	[smem:$0x3FD2] =	sst s26  }
0x1e: {  	s5 =	sshll.u32 s27, $0x1;
	_ =	strace $0x80000046;
	[dreg:$0x1] =	wrdreg $0xFFFFFFFF  }
0x1f: {  	s28 =	simm.s32 $_size_execute0_lowered;
	s3 =	sadd.s32 s3, s5;
	[dreg:$0x0] =	wrdreg $0x0  }
0x20: {  	s5 =	sshll.u32 s28, $0x1;
	[dreg:$0x2] =	wrdreg s3  }
0x21: {  	[dreg:$0x3] =	wrdreg s5  }
0x22: {  	[dreg:$0x4] =	wrdreg $0xC0  }
0x23: {  	_ =	task [dreg:s7], $0x5FFFF  }
0x24: {  	[dreg:$0x1] =	wrdreg $0xFFFFFFFF  }
0x25: {  	[dreg:$0x0] =	wrdreg $0x60  }
0x26: {  	[dreg:$0x2] =	wrdreg s2  }
0x27: {  	[dreg:$0x3] =	wrdreg s25  }
0x28: {  	[dreg:$0x4] =	wrdreg $0xA  }
0x29: {  	_ =	task.clear_ibuf [dreg:s7], $0x5FFFF;
	_ =	strace $0x90000046  }
0x2a: {  	s29 =	simm.s32 $0xA;
	_ =	strace $0x80000048  }
0x2b: {  	_ =	swait.ge [sflag:s29], $0x1  }
0x2c: {  	[sflag:s29] =	ssyncadd.s32 $0xFFFFFFFF  }
0x2d: {  	_ =	strace $0x90000048  }
0x2e: {  	_ =	sfence  }
0x2f: {  	s30 =	sld [smem:$0x0];
	_ =	sdelay $0x2  }
0x30: {  	s31 =	sshll.u32 s1, $0xD;
	s1 =	sshrl.u32 s1, $0x2  }
0x31: {  	s3 =	sand.u32 $0x4000, s31;
	s1 =	sadd.s32 s1, s30  }
0x32: {  	s0 =	sor.u32 s3, s0;
	s1 =	sshll.u32 s1, $0x11  }
0x33: {  	s0 =	sor.u32 s1, s0  }
0x34: {  	s0 =	sadd.s32 $0x8F2B, s0  }
0x35: {  	[sflag:s0] =	ssyncadd.remote.s32 $0x1  }
0x36: {  	_ =	sfence.sel $0xFFFF  }
0x37: {  	[dreg:$0x0] =	wrdreg $0xFFFFFFFF;
	(pc) =	sbr.abs _section_cstart, $3  }
0x38: {  	[dreg:$0x1] =	wrdreg $0xFFFFFFFF  }
0x39: {  	_ =	task.clear_ibuf [dreg:s7], $0x2FFFF;
	_ =	strace $0x9FFFFFFF  }
0x3a: {  	(tm) =	ssettm $0x7FFFFFFF  }
0x3b: {  	_ =	shalt  }
tec
execute0_lowered:
.L_overlay_start_1:
0x0: {  	(tag) =	ssettag $0x1  }
0x1: {  	s7 =	rddreg [dreg:$0x0]  }
0x2: {  	s0 =	rddreg [dreg:$0x1]  }
0x3: {  	_ =	strace $0x80000047;
	s30 =	srdreg.scid;
	s2 =	stileid.u32  }
0x4: {  	s1 =	simm.s32 $0x1;
	s31 =	simm.s32 $0x2;
	s16 =	simm.s32 $0x0  }
0x5: {  	s18 =	simm.s32 $0x0;
	s17 =	simm.s32 $0x0;
	s10 =	simm.s32 $0x0  }
.Ltmp0:
0x6: {  	s11 =	simm.s32 $0x0;
	s0 =	sadd.s32 $0xA00, s0;
	(pc) =	sbr.rel .LBB1_1-.Ltmp0, $4  }
0x7: {  	s13 =	simm.s32 $0x0;
	[dreg:$0x3] =	wrdreg s0;
	s0 =	sshll.u32 s30, $0x4  }
0x8: {  	s12 =	simm.s32 $0x0;
	s15 =	simm.s32 $0x0;
	s0 =	sand.u32 $0x10, s0  }
0x9: {  	s8 =	simm.s32 $0x0;
	[sflag:s1] =	ssyncpa.u1 $0x0;
	s9 =	sor.u32 s2, s0  }
0xa: {  	[sflag:s31] =	ssyncpa.u1 $0x0;
	s14 =	smov.u32 s9;
	[dreg:$0x4] =	wrdreg s9  }
.LBB1_14:
0xb: {  	s10 =	rddreg [dreg:$0x5]  }
0xc: {  	s13 =	rddreg [dreg:$0x8]  }
0xd: {  	s3 =	rddreg [dreg:$0xe]  }
0xe: {  	s5 =	rddreg [dreg:$0x10]  }
0xf: {  	s23 =	rddreg [dreg:$0xf]  }
0x10: {  	s11 =	rddreg [dreg:$0x6]  }
0x11: {  	s26 =	rddreg [dreg:$0x3]  }
0x12: {  	s29 =	rddreg [dreg:$0x11]  }
0x13: {  	s7 =	rddreg [dreg:$0x0]  }
0x14: {  	s9 =	rddreg [dreg:$0x4]  }
0x15: {  	s12 =	rddreg [dreg:$0x7]  }
0x16: {  	s14 =	rddreg [dreg:$0x9]  }
0x17: {  	s15 =	rddreg [dreg:$0xa]  }
0x18: {  	s16 =	rddreg [dreg:$0xb]  }
0x19: {  	s17 =	rddreg [dreg:$0xc]  }
0x1a: {  	s31 =	simm.s32 $0x80;
	s18 =	rddreg [dreg:$0xd]  }
0x1b: {  	s0 =	sshll.u32 s10, $0x7;
	s1 =	sshll.u32 s13, $0x3;
	p0 =	sgt.s32 s13, $0x60  }
0x1c: {  	s24 =	smul.u32 $0x22200, s11;
	s2 =	sand.u32 $0xFFFFFC00, s0;
	s1 =	sand.u32 $0xFFFFFC00, s1  }
0x1d: {  	s0 =	sand.u32 $0x380, s0;
	s1 =	sadd.s32 s1, s2;
	s2 =	smov.u32 s13  }
0x1e: {  	s0 =	sor.u32 s0, s1;
	s2 =	simm.s32 @!p0 $0x60;
	p0 =	sgt.s32 s10, $0x21A0  }
0x1f: {  	s1 =	smov.u32 s10;
	s0 =	sshrl.u32 s0, $0x7;
	s2 =	sadd.s32 s3, s2  }
0x20: {  	s1 =	simm.s32 @!p0 $0x21A0;
	s21 =	smulhi.u32 $0xF00F01, s0;
	s4 =	sadd.s32 $0xFFFFFFA0, s2  }
0x21: {  	s1 =	sadd.s32 s5, s1;
	s2 =	ssub.s32 $0x80, s2;
	p0 =	sgt.s32 s4, $0x1F  }
0x22: {  	s22 =	sadd.s32 $0xFFFFDE60, s1;
	s1 =	ssub.s32 $0x2220, s1;
	s2 =	simm.s32 @p0 $0x0  }
0x23: {  	s3 =	sshrl.u32 s21, $0x5;
	p0 =	sgt.s32 s22, $0x7F;
	s2 =	smul.u32 s2, s23  }
0x24: {  	s27 =	sand.u32 $0x7, s13;
	s3 =	smul.u32 $0x2220, s3;
	s1 =	simm.s32 @p0 $0x0  }
0x25: {  	s25 =	sshrl.u32 s13, $0x3;
	s28 =	sshll.u32 s27, $0x12;
	s1 =	smul.u32 s1, s2  }
0x26: {  	s0 =	ssub.s32 s0, s3;
	s3 =	sand.u32 $0xF, s25;
	s2 =	sadd.s32 s26, s24  }
0x27: {  	s30 =	sor.u32 $0x20, s28;
	s0 =	sshll.u32 s0, $0x4;
	s2 =	sadd.s32 s3, s2  }
0x28: {  	s4 =	sor.u32 $0x2000, s29;
	s1 =	sand.u32 $0x3FFFFFFF, s1;
	s0 =	sadd.s32 s0, s2  }
0x29: {  	[hbm4b:s0+s30] =	stream.strided.scatter [tilespmem:s4], [sflag:$0x2], s1, s31, s30, $0x10;
	[tilespmem:$0x4100] =	vst v63  }
.LBB1_15:
0x2a: {  	p0 =	slt.u32 s8, $0x2  }
0x2b: {  	p1 =	sgt.s32 @!p0 s18, $0x3F  }
0x2c: {  	s0 =	smov.u32 s18;
	s1 =	sshra.s32 @!p0 s18, $0x1F;
	p1 =	por !p1, p0  }
0x2d: {  	s1 =	sand.u32 @!p0 s1, s18;
	s0 =	simm.s32 @p1 $0x3F  }
0x2e: {  	s3 =	smov.u32 s16;
	s0 =	ssub.s32 @!p0 s0, s1  }
0x2f: {  	p2 =	sgt.s32 @!p0 s17, $0x60;
	s2 =	sshra.s32 @!p0 s17, $0x1F;
	s1 =	sadd.s32 @!p0 $0xFFFFFFC1, s0  }
0x30: {  	p2 =	por !p2, p0;
	p1 =	sgt.s32 @!p0 s1, $0x0;
	s1 =	smov.u32 s17  }
0x31: {  	s2 =	sand.u32 @!p0 s2, s17;
	s1 =	simm.s32 @p2 $0x60;
	p2 =	sgt.s32 @!p0 s16, $0x21A0  }
0x32: {  	s0 =	ssub.s32 @!p0 $0x40, s0;
	p1 =	por !p1, p0;
	p2 =	por !p2, p0  }
0x33: {  	s1 =	ssub.s32 @!p0 s1, s2;
	s2 =	sshra.s32 @!p0 s16, $0x1F;
	s0 =	simm.s32 @!p1 $0x0  }
0x34: {  	s3 =	simm.s32 @p2 $0x21A0;
	s2 =	sand.u32 @!p0 s2, s16;
	s4 =	sadd.s32 @!p0 $0xFFFFFFA0, s1  }
0x35: {  	s1 =	ssub.s32 @!p0 $0x80, s1;
	s2 =	ssub.s32 @!p0 s3, s2;
	p1 =	sgt.s32 @!p0 s4, $0x1F  }
0x36: {  	s4 =	smov.u32 s14;
	s3 =	sadd.s32 @!p0 $0xFFFFDE60, s2;
	p1 =	por !p1, p0  }
0x37: {  	s2 =	ssub.s32 @!p0 $0x2220, s2;
	p2 =	sgt.s32 @!p0 s3, $0x7F;
	s1 =	simm.s32 @!p1 $0x0  }
0x38: {  	p1 =	por !p2, p0;
	s0 =	smul.u32 @!p0 s1, s0;
	s1 =	sadd.s32 $0x80, s12  }
0x39: {  	s3 =	sadd.s32 $0x20, s14;
	s2 =	simm.s32 @!p1 $0x0;
	p1 =	sgt.s32 s1, $0x221B  }
0x3a: {  	s0 =	smul.u32 @!p0 s2, s0;
	s4 =	smov.u32 @p1 s3  }
0x3b: {  	s2 =	sadd.s32 $0x20, s15;
	s3 =	smov.u32 s15;
	p2 =	sgt.s32 s4, $0x3F  }
0x3c: {  	s8 =	sadd.s32 $0x1, s8;
	s3 =	smov.u32 @p2 s2  }
0x3d: {  	s18 =	smov.u32 s11;
	s1 =	simm.s32 @p1 $0x0;
	p1 =	sgt.s32 s3, $0x18  }
0x3e: {  	s11 =	smov.u32 s14;
	s3 =	simm.s32 @p1 $0x0;
	p1 =	sne.s32 s8, $0x8C  }
.Ltmp1:
0x3f: {  	s17 =	smov.u32 s13;
	s13 =	smov.u32 s15;
	(pc) =	sbr.rel @!p1 .LBB1_16-.Ltmp1, $4  }
0x40: {  	s16 =	smov.u32 s10;
	s0 =	sand.u32 @!p0 $0x3FFFFFFF, s0;
	s2 =	simm.s32 @!p0 $0x2  }
0x41: {  	s10 =	smov.u32 s12;
	s12 =	smov.u32 s1;
	_ =	swait.ge @!p0 [sflag:s2], s0  }
0x42: {  	s4 =	smov.u32 @p2 s9;
	s0 =	ssub.s32 @!p0 $0x0, s0;
	[sflag:s2] =	ssyncset.done @!p0 $0x0  }
0x43: {  	s14 =	smov.u32 s4;
	[sflag:s2] =	ssyncadd.s32 @!p0 s0;
	s15 =	smov.u32 s3  }
.LBB1_1:
0x44: {  	p0 =	sgt.u32 s8, $0x89;
	s4 =	smov.u32 s14  }
0x45: {  	s5 =	smov.u32 s12;
	s0 =	sshrl.u32 @!p0 s14, $0x3;
	s1 =	sshll.u32 @!p0 s12, $0x3  }
0x46: {  	s2 =	sshll.u32 @!p0 s14, $0x7;
	p1 =	sgt.s32 @!p0 s15, $0xFFFFFFF9;
	s0 =	smul.u32 @!p0 $0x11400, s0  }
0x47: {  	s3 =	sshra.s32 @!p0 s15, $0x1F;
	p2 =	sgt.s32 @!p0 s14, $0x3F;
	s1 =	sand.u32 @!p0 $0xFFFFFC00, s1  }
0x48: {  	s6 =	sshra.s32 @!p0 s12, $0x1F;
	s0 =	sadd.s32 @!p0 s0, s1;
	s1 =	sand.u32 @!p0 $0x380, s2  }
0x49: {  	p1 =	por !p1, p0;
	s0 =	sor.u32 @!p0 s1, s0;
	s1 =	smov.u32 s15  }
0x4a: {  	s3 =	sand.u32 @!p0 s3, s15;
	s6 =	sand.u32 @!p0 s6, s12;
	s1 =	simm.s32 @p1 $0xFFFFFFF9  }
0x4b: {  	s2 =	sand.u32 @!p0 $0x7F, s12;
	p1 =	por !p2, p0;
	s1 =	ssub.s32 @!p0 s1, s3  }
0x4c: {  	s4 =	simm.s32 @p1 $0x3F;
	p1 =	sgt.s32 @!p0 s12, $0x2200;
	s3 =	sshra.s32 @!p0 s14, $0x1F  }
0x4d: {  	s2 =	sor.u32 @!p0 s2, s0;
	p1 =	por !p1, p0;
	s3 =	sand.u32 @!p0 s3, s14  }
0x4e: {  	s0 =	smulhi.u32 @!p0 $0x76B981DB, s0;
	s5 =	simm.s32 @p1 $0x2200;
	s3 =	ssub.s32 @!p0 s4, s3  }
0x4f: {  	s4 =	sadd.s32 @!p0 $0x7, s1;
	s1 =	ssub.s32 @!p0 $0x19, s1;
	s5 =	ssub.s32 @!p0 s5, s6  }
0x50: {  	p1 =	sgt.s32 @!p0 s4, $0x1F;
	s4 =	sadd.s32 @!p0 $0xFFFFFFC1, s3;
	s3 =	ssub.s32 @!p0 $0x40, s3  }
0x51: {  	p2 =	sgt.s32 @!p0 s4, $0x0;
	s4 =	smulhi.u32 @!p0 $0x76B981DB, s2;
	p1 =	por !p1, p0  }
0x52: {  	s6 =	sadd.s32 @!p0 $0xFFFFDE00, s5;
	s1 =	simm.s32 @!p1 $0x0;
	p1 =	por !p2, p0  }
0x53: {  	p3 =	sgt.s32 @!p0 s6, $0x7F;
	s3 =	simm.s32 @!p1 $0x0;
	s4 =	sshrl.u32 @!p0 s4, $0xC  }
0x54: {  	p1 =	por !p3, p0;
	s1 =	smul.u32 @!p0 s1, s3;
	s3 =	ssub.s32 @!p0 $0x2280, s5  }
0x55: {  	s4 =	smul.u32 @!p0 $0x2280, s4;
	s3 =	simm.s32 @!p1 $0x0  }
0x56: {  	s0 =	sshrl.u32 @!p0 s0, $0xC;
	s5 =	sxor.u32 @!p0 $0xFFFFFFFF, s8;
	s1 =	smul.u32 @!p0 s3, s1  }
0x57: {  	s0 =	sand.u32 @!p0 $0x3F, s0;
	s3 =	sshll.u32 @!p0 s5, $0xC;
	s5 =	smul.u32 @!p0 $0x11400, s15  }
0x58: {  	s0 =	smul.u32 @!p0 $0x450, s0;
	s2 =	ssub.s32 @!p0 s2, s4;
	s3 =	sand.u32 @!p0 $0x1000, s3  }
0x59: {  	s1 =	sand.u32 @!p0 $0x3FFFFFFF, s1;
	s4 =	sadd.s32 @!p0 s7, s5;
	s5 =	sand.u32 @!p0 $0x7, s2  }
0x5a: {  	s2 =	sshrl.u32 @!p0 s2, $0x3;
	s0 =	sadd.s32 @!p0 s0, s4;
	s4 =	sshll.u32 @!p0 s5, $0x12  }
0x5b: {  	s0 =	sadd.s32 @!p0 s2, s0;
	s2 =	sor.u32 @!p0 $0x80, s4;
	s4 =	simm.s32 @!p0 $0x8A000  }
0x5c: {  	[tilespmem:s3], [sflag:$0x1] =	stream.strided.gather @!p0 [hbm4b:s0+s2], s1, s4, s2, $0x38;
	[tilespmem:$0x4100] =	vst v63  }
0x5d: {  	p0 =	seq.s32 s8, $0x0  }
0x5e: {  	p1 =	seq.s32 @!p0 s8, $0x8B  }
0x5f: {  	p0 =	por p0, p1  }
.Ltmp2:
0x60: {  	_ = 	snop;
	(pc) =	sbr.rel @p0 .LBB1_15-.Ltmp2, $1  }
0x61: {  	_ =	sdelay $0x3  }
0x62: {  	[dreg:$0xd] =	wrdreg s18  }
0x63: {  	[dreg:$0xc] =	wrdreg s17  }
0x64: {  	[dreg:$0xb] =	wrdreg s16;
	s0 =	ssub.s32 $0x0, s13;
	s1 =	sshra.s32 s13, $0x1F  }
0x65: {  	p0 =	sgt.s32 s13, $0xFFFFFFF9;
	s2 =	smov.u32 s13;
	s27 =	sshra.s32 s11, $0x1F  }
0x66: {  	p1 =	sgt.s32 s10, $0x2200;
	s4 =	ssub.s32 $0x0, s10;
	s5 =	sshra.s32 s10, $0x1F  }
0x67: {  	s0 =	sand.u32 s0, s1;
	s2 =	simm.s32 @!p0 $0xFFFFFFF9;
	p0 =	sgt.s32 s11, $0x3F  }
0x68: {  	s1 =	smov.u32 s11;
	s28 =	sand.u32 s4, s5;
	[dreg:$0xe] =	wrdreg s0  }
0x69: {  	s0 =	sadd.s32 s0, s2;
	s1 =	simm.s32 @!p0 $0x3F;
	s2 =	sand.u32 s27, s11  }
0x6a: {  	s3 =	sadd.s32 $0x7, s0;
	s1 =	ssub.s32 s1, s2;
	s0 =	ssub.s32 $0x19, s0  }
0x6b: {  	p0 =	sgt.s32 s3, $0x1F;
	s2 =	sadd.s32 $0xFFFFFFC1, s1;
	s3 =	smov.u32 s10  }
0x6c: {  	s3 =	simm.s32 @!p1 $0x2200;
	p1 =	sgt.s32 s2, $0x0;
	s2 =	ssub.s32 $0x40, s1  }
0x6d: {  	s0 =	simm.s32 @p0 $0x0;
	s2 =	simm.s32 @p1 $0x0;
	s1 =	sadd.s32 s28, s3  }
0x6e: {  	[dreg:$0xf] =	wrdreg s2;
	s0 =	smul.u32 s0, s2;
	s29 =	sadd.s32 $0xFFFFDE00, s1  }
0x6f: {  	s1 =	ssub.s32 $0x2280, s1;
	s2 =	sadd.s32 $0x20, s13;
	p0 =	sgt.s32 s29, $0x7F  }
0x70: {  	s3 =	sadd.s32 $0x1, s11;
	s1 =	simm.s32 @p0 $0x0;
	p0 =	slt.s32 s2, $0x19  }
0x71: {  	[dreg:$0xa] =	wrdreg s15;
	s2 =	simm.s32 @!p0 $0x19;
	p0 =	slt.s32 s3, $0x40  }
0x72: {  	[dreg:$0x9] =	wrdreg s14;
	s21 =	ssub.s32 s2, s13;
	s3 =	simm.s32 @!p0 $0x40  }
0x73: {  	[dreg:$0x7] =	wrdreg s12;
	s22 =	ssub.s32 s3, s11;
	p0 =	slt.s32 s21, $0x1  }
0x74: {  	[dreg:$0x5] =	wrdreg s10;
	p1 =	slt.s32 @!p0 s22, $0x1  }
0x75: {  	[dreg:$0x8] =	wrdreg s13;
	s0 =	smul.u32 s1, s0;
	p1 =	por p0, p1  }
.Ltmp3:
0x76: {  	[dreg:$0x6] =	wrdreg s11;
	s30 =	simm.s32 $0x1;
	(pc) =	sbr.rel @p1 .LBB1_14-.Ltmp3, $4  }
0x77: {  	[dreg:$0x10] =	wrdreg s28;
	s1 =	sand.u32 $0x3FFFFFFF, s0;
	s0 =	sand.u32 $0x1, s8  }
0x78: {  	_ =	swait.ge [sflag:s30], s1;
	s31 =	smul.u32 $0x1080, s0  }
0x79: {  	s1 =	ssub.s32 $0x0, s1;
	[sflag:s30] =	ssyncset.done $0x0  }
0x7a: {  	[sflag:s30] =	ssyncadd.s32 s1;
	[dreg:$0x11] =	wrdreg s31  }
0x7b: {  	s2 =	rddreg [dreg:$0x5]  }
0x7c: {  	s1 =	sadd.s32 $0x80, s2  }
0x7d: {  	p1 =	slt.s32 s1, $0x221C  }
.Ltmp4:
0x7e: {  	s1 =	simm.s32 @!p1 $0x221C;
	(pc) =	sbr.rel .LBB1_4-.Ltmp4, $4  }
0x7f: {  	s1 =	ssub.s32 s1, s2  }
0x80: {  	s25 =	sshll.u32 @!p0 s0, $0xC;
	s0 =	rddreg [dreg:$0x11];
	s1 =	sadd.s32 $0xF, s1  }
0x81: {  	s27 =	simm.s32 $0x0;
	s23 =	sand.u32 $0xFFFFFFF0, s1;
	s24 =	sand.u32 @!p0 $0xFFFFFF00, s1  }
0x82: {  	s26 =	sor.u32 @!p0 $0x2000, s0;
	p0 =	slt.s32 s1, $0x100;
	p1 =	sge.s32 s24, s23  }
.LBB1_13:
0x83: {  	s27 =	sadd.s32 $0x1, s27  }
0x84: {  	p2 =	sne.s32 s27, s21  }
.Ltmp5:
0x85: {  	_ = 	snop;
	(pc) =	sbr.rel @!p2 .LBB1_14-.Ltmp5, $1  }
0x86: {  	_ =	sdelay $0x3  }
.LBB1_4:
0x87: {  	s28 =	sshrl.u32 s27, $0x4;
	s0 =	sshll.u32 s27, $0x3;
	s1 =	sshll.u32 s27, $0x9  }
0x88: {  	s29 =	sand.u32 $0x7F, s27;
	s2 =	sand.u32 $0x78, s28;
	s3 =	sadd.s32 $0x800, s0  }
0x89: {  	s5 =	sadd.s32 $0x1000, s0;
	s6 =	sadd.s32 $0x1800, s0;
	s1 =	sshra.s32 s1, $0x2  }
0x8a: {  	s17 =	sadd.s32 $0x2800, s0;
	s19 =	sadd.s32 $0x3000, s0;
	s0 =	sadd.s32 $0x3800, s0  }
0x8b: {  	s4 =	smul.u32 $0x84, s2;
	s3 =	sshrl.u32 s3, $0x7;
	s2 =	sxor.u32 $0x40, s2  }
0x8c: {  	s5 =	sshrl.u32 s5, $0x7;
	s3 =	sand.u32 $0x78, s3;
	s9 =	smul.u32 $0x84, s2  }
0x8d: {  	s6 =	sshrl.u32 s6, $0x7;
	s5 =	sand.u32 $0x78, s5;
	s3 =	smul.u32 $0x84, s3  }
0x8e: {  	s18 =	sshrl.u32 s17, $0x7;
	s6 =	sand.u32 $0x78, s6;
	s5 =	smul.u32 $0x84, s5  }
0x8f: {  	s31 =	sadd.s32 s29, s26;
	s2 =	sand.u32 $0x78, s18;
	s7 =	smul.u32 $0x84, s6  }
0x90: {  	s0 =	sshrl.u32 s0, $0x7;
	s30 =	sadd.s32 s1, s25;
	s10 =	smul.u32 $0x84, s2  }
.Ltmp6:
0x91: {  	s0 =	sand.u32 $0x78, s0;
	s6 =	sshrl.u32 s19, $0x7;
	(pc) =	sbr.rel .LBB1_5-.Ltmp6, $4  }
0x92: {  	s17 =	simm.s32 $0x0;
	s12 =	smul.u32 $0x84, s0;
	s20 =	sand.u32 $0x78, s6  }
0x93: {  	s0 =	sshrl.u32 s4, $0x2;
	s11 =	smul.u32 $0x84, s20;
	s1 =	sshrl.u32 s3, $0x2  }
0x94: {  	s6 =	sshrl.u32 s5, $0x2;
	s2 =	sshrl.u32 s7, $0x2;
	s3 =	sshrl.u32 s9, $0x2  }
0x95: {  	s4 =	sshrl.u32 s10, $0x2;
	s20 =	sshrl.u32 s12, $0x2;
	s5 =	sshrl.u32 s11, $0x2  }
.LBB1_12:
0x96: {  	s17 =	sadd.s32 $0x1, s17  }
0x97: {  	p2 =	sne.s32 s17, s22  }
.Ltmp7:
0x98: {  	_ = 	snop;
	(pc) =	sbr.rel @!p2 .LBB1_13-.Ltmp7, $1  }
0x99: {  	_ =	sdelay $0x3  }
.LBB1_5:
.Ltmp8:
0x9a: {  	(pc) =	sbr.rel @p0 .LBB1_9-.Ltmp8, $2  }
0x9b: {  	_ =	sdelay $0x2  }
0x9c: {  	s19 =	smul.u32 $0x4200, s17  }
0x9d: {  	s9 =	sshll.u32 s17, $0x7  }
0x9e: {  	s13 =	sand.u32 $0x380, s9  }
0x9f: {  	s7 =	sshra.s32 s19, $0x2;
	s18 =	sadd.s32 s13, s30  }
0xa0: {  	s10 =	sadd.s32 s7, s26;
	v0 =	vld [tilespmem:s18+$0x70]  }
0xa1: {  	s14 =	sadd.s32 s0, s10;
	s11 =	sadd.s32 s1, s10;
	v3 =	vld [tilespmem:s18+$0x60]  }
0xa2: {  	s15 =	sadd.s32 s6, s10;
	s16 =	sadd.s32 s2, s10;
	s12 =	sadd.s32 s3, s10;
	v1 =	vld [tilespmem:s18+$0x50]  }
0xa3: {  	s13 =	sadd.s32 s20, s10;
	v2 =	vld [tilespmem:s18+$0x40];
	s7 =	sadd.s32 s29, s15;
	s15 =	sadd.s32 s29, s16  }
0xa4: {  	v4 =	vld [tilespmem:s18+$0x30];
	s16 =	sadd.s32 s29, s12;
	s12 =	sadd.s32 s5, s10;
	s13 =	sadd.s32 s29, s13  }
0xa5: {  	v5 =	vld [tilespmem:s18+$0x20];
	s9 =	sadd.s32 s29, s11;
	s11 =	sadd.s32 s4, s10;
	s10 =	sadd.s32 s29, s12;
	[tilespmem:s13+$0x0 ss:$0x21] =	vst.msk $0xffff, v0  }
0xa6: {  	v6 =	vld [tilespmem:s18+$0x10];
	s11 =	sadd.s32 s29, s11;
	[tilespmem:s10+$0x0 ss:$0x21] =	vst.msk $0xffff, v3  }
0xa7: {  	v7 =	vld [tilespmem:s18+$0x0];
	[tilespmem:s11+$0x0 ss:$0x21] =	vst.msk $0xffff, v1  }
0xa8: {  	[tilespmem:s16+$0x0 ss:$0x21] =	vst.msk $0xffff, v2  }
0xa9: {  	[tilespmem:s15+$0x0 ss:$0x21] =	vst.msk $0xffff, v4  }
0xaa: {  	p2 =	sgt.s32 s24, $0x100;
	[tilespmem:s7+$0x0 ss:$0x21] =	vst.msk $0xffff, v5  }
.Ltmp9:
0xab: {  	s14 =	sadd.s32 s29, s14;
	[tilespmem:s9+$0x0 ss:$0x21] =	vst.msk $0xffff, v6;
	(pc) =	sbr.rel @!p2 .LBB1_8-.Ltmp9, $4  }
0xac: {  	[tilespmem:s14+$0x0 ss:$0x21] =	vst.msk $0xffff, v7  }
0xad: {  	[tilespmem:s14+$0x0 ss:$0x21] =	vst.msk $0xffff, v7  }
0xae: {  	[tilespmem:s9+$0x0 ss:$0x21] =	vst.msk $0xffff, v6  }
0xaf: {  	s12 =	simm.s32 $0x100;
	[tilespmem:s7+$0x0 ss:$0x21] =	vst.msk $0xffff, v5  }
.LBB1_7:
0xb0: {  	v5 =	vld [tilespmem:s18+$0x70];
	[tilespmem:s15+$0x0 ss:$0x21] =	vst.msk $0xffff, v4  }
0xb1: {  	v6 =	vld [tilespmem:s18+$0x60];
	[tilespmem:s16+$0x0 ss:$0x21] =	vst.msk $0xffff, v2  }
0xb2: {  	[tilespmem:s11+$0x0 ss:$0x21] =	vst.msk $0xffff, v1;
	v1 =	vld [tilespmem:s18+$0x50]  }
0xb3: {  	v2 =	vld [tilespmem:s18+$0x40];
	[tilespmem:s10+$0x0 ss:$0x21] =	vst.msk $0xffff, v3  }
0xb4: {  	v4 =	vld [tilespmem:s18+$0x30];
	[tilespmem:s13+$0x0 ss:$0x21] =	vst.msk $0xffff, v0  }
0xb5: {  	v7 =	vld [tilespmem:s18+$0x20];
	[tilespmem:s13+$0x0 ss:$0x21] =	vst.msk $0xffff, v5;
	v0 =	vmov v5  }
0xb6: {  	v5 =	vld [tilespmem:s18+$0x10];
	[tilespmem:s10+$0x0 ss:$0x21] =	vst.msk $0xffff, v6;
	v3 =	vmov v6  }
0xb7: {  	s12 =	sadd.s32 $0x100, s12;
	v6 =	vld [tilespmem:s18+$0x0];
	[tilespmem:s11+$0x0 ss:$0x21] =	vst.msk $0xffff, v1  }
0xb8: {  	p2 =	slt.s32 s12, s24;
	[tilespmem:s16+$0x0 ss:$0x21] =	vst.msk $0xffff, v2  }
0xb9: {  	[tilespmem:s15+$0x0 ss:$0x21] =	vst.msk $0xffff, v4  }
0xba: {  	[tilespmem:s7+$0x0 ss:$0x21] =	vst.msk $0xffff, v7  }
.Ltmp10:
0xbb: {  	[tilespmem:s9+$0x0 ss:$0x21] =	vst.msk $0xffff, v5;
	(pc) =	sbr.rel @p2 .LBB1_7-.Ltmp10, $4  }
0xbc: {  	[tilespmem:s14+$0x0 ss:$0x21] =	vst.msk $0xffff, v6  }
0xbd: {  	[tilespmem:s14+$0x0 ss:$0x21] =	vst.msk $0xffff, v6  }
0xbe: {  	[tilespmem:s9+$0x0 ss:$0x21] =	vst.msk $0xffff, v5  }
0xbf: {  	[tilespmem:s7+$0x0 ss:$0x21] =	vst.msk $0xffff, v7  }
.LBB1_8:
0xc0: {  	[tilespmem:s15+$0x0 ss:$0x21] =	vst.msk $0xffff, v4  }
0xc1: {  	[tilespmem:s16+$0x0 ss:$0x21] =	vst.msk $0xffff, v2  }
0xc2: {  	[tilespmem:s11+$0x0 ss:$0x21] =	vst.msk $0xffff, v1  }
0xc3: {  	[tilespmem:s10+$0x0 ss:$0x21] =	vst.msk $0xffff, v3  }
0xc4: {  	[tilespmem:s13+$0x0 ss:$0x21] =	vst.msk $0xffff, v0  }
.LBB1_9:
.Ltmp11:
0xc5: {  	(pc) =	sbr.rel @p1 .LBB1_12-.Ltmp11, $1  }
0xc6: {  	_ =	sdelay $0x3  }
0xc7: {  	s7 =	sand.u32 $0x7, s17  }
0xc8: {  	s7 =	sadd.s32 s27, s7  }
0xc9: {  	s7 =	sshll.u32 s7, $0x9  }
0xca: {  	s7 =	sshra.s32 s7, $0x2  }
0xcb: {  	s9 =	sadd.s32 s7, s25  }
0xcc: {  	v0 =	vmov s9  }
0xcd: {  	s19 =	sshra.s32 s19, $0x2  }
0xce: {  	s7 =	sadd.s32 s19, s31;
	s9 =	smov.u32 s24  }
.LBB1_11:
0xcf: {  	s11 =	sadd.s32 s9, s28  }
0xd0: {  	s10 =	sand.u32 $0x70, s9;
	s9 =	sadd.s32 $0x10, s9;
	s19 =	sand.u32 $0x78, s11  }
0xd1: {  	v1 =	vld.idx.msk [tilespmem:v0+s10+$0x0 ss:$0x1], $0xffff;
	p2 =	slt.s32 s9, s23;
	s10 =	smul.u32 $0x84, s19  }
.Ltmp12:
0xd2: {  	_ = 	snop;
	(pc) =	sbr.rel @p2 .LBB1_11-.Ltmp12, $4  }
0xd3: {  	_ = 	snop  }
0xd4: {  	s10 =	sshrl.u32 s10, $0x2  }
0xd5: {  	s10 =	sadd.s32 s10, s7  }
0xd6: {  	[tilespmem:s10+$0x0 ss:$0x21] =	vst.msk $0xffff, v1  }
.Ltmp13:
0xd7: {  	_ = 	snop;
	(pc) =	sbr.rel .LBB1_12-.Ltmp13, $1  }
0xd8: {  	_ =	sdelay $0x3  }
.LBB1_16:
0xd9: {  	_ =	sfence.sel $0x180000  }
0xda: {  	s0 =	simm.s32 $0x1;
	[bflag:$0x0] =	sbarrier.arrive $0xFFFF  }
0xdb: {  	s30 =	simm.s32 $0x2;
	[sflag:s0] =	ssyncpa.u1 $0x1  }
0xdc: {  	[sflag:s30] =	ssyncpa.u1 $0x1  }
0xdd: {  	_ =	strace $0x90000047  }
0xde: {  	s31 =	stileid.u32;
	[bflag:$0x2] =	sbarrier.arrive $0xFFFF  }
0xdf: {  	p0 =	sne.s32 s31, $0x0;
	s0 =	rddreg [dreg:$0x2]  }
0xe0: {  	s0 =	sadd.s32 @!p0 $0x100000, s0  }
0xe1: {  	[sflag:s0] =	ssyncadd.tile.s32 @!p0 $0x1;
	_ =	shalt  }
.Lfunc_end1:
_tile_overlayer_lowered:
.L_overlay_start_2:
0xe2: {  	(tag) =	ssettag $0x2  }
0xe3: {  	s0 =	rddreg [dreg:$0x0];
	s2 =	stileid.u32  }
0xe4: {  	s1 =	rddreg [dreg:$0x1];
	p0 =	sne.s32 s2, $0x0  }
0xe5: {  	s3 =	rddreg [dreg:$0x2];
	[bflag:$0x3] =	sbarrier.arrive $0xFFFF;
	s2 =	simm.s32 @!p0 $0x1C01  }
0xe6: {  	[timem:s3], [sflag:s2] =	dma.local @!p0 [hbm:s0], s1  }
0xe7: {  	s0 =	simm.s32 @!p0 $0x1  }
0xe8: {  	_ =	swait.ge @!p0 [sflag:s0], s1  }
0xe9: {  	s1 =	ssub.s32 @!p0 $0x0, s1;
	[sflag:s0] =	ssyncset.done @!p0 $0x0  }
0xea: {  	[sflag:s0] =	ssyncadd.s32 @!p0 s1  }
0xeb: {  	[bflag:$0x3] =	sbarrier.arrive $0xFFFF  }
0xec: {  	_ =	shalt  }

// kernel: sparse-core-data-format-call.cloned.1.call-start
scs
called_computation_lowered:
.L_overlay_start_0:
0x0: {  	s2 =	sld [smem:$0x3FD9]  }
0x1: {  	s3 =	sld [smem:$0x3FFE];
	_ =	sdelay $0x1  }
0x2: {  	s1 =	srdreg.scid  }
0x3: {  	s0 =	sand.u32 $0x1, s1  }
0x4: {  	s18 =	sshll.u32 s0, $0xA;
	s2 =	sadd.s32 s3, s2  }
0x5: {  	s2 =	sadd.s32 s2, s18  }
0x6: {  	[smem:$0x3FC6] =	sst s2  }
0x7: {  	_ = 	snop  }
0x8: {  	s19 =	sld [smem:$0x3FC8];
	(tm) =	ssettm $0x1  }
0x9: {  	s20 =	sld [smem:$0x3FFB];
	_ =	sdelay $0x3  }
0xa: {  	_ =	strace s20  }
0xb: {  	s2 =	sld [smem:$0x3FFC];
	_ =	sdelay $0x3  }
0xc: {  	_ =	strace s2  }
0xd: {  	s2 =	sld [smem:$0x3FFD];
	_ =	sdelay $0x3  }
0xe: {  	_ =	strace s2  }
0xf: {  	_ =	strace $0x8FFFFFFF  }
0x10: {  	s21 =	sld [smem:$0x3FDB];
	_ =	sdelay $0x1  }
0x11: {  	s4 =	simm.s32 $_scs_section_size  }
0x12: {  	s5 =	simm.s32 $_size__tile_overlayer_lowered;
	s6 =	simm.s32 $_tile_overlayer_lowered  }
0x13: {  	s7 =	simm.s32 $0x1BFF;
	s22 =	sshll.u32 s6, $0x1;
	s4 =	sadd.s32 s4, s21  }
0x14: {  	s23 =	simm.s32 $0x0;
	s5 =	sshll.u32 s5, $0x1;
	s6 =	sadd.s32 s22, s4  }
0x15: {  	[timem:s23], [sflag:s7] =	dma.local [hbm:s6], s5  }
0x16: {  	_ =	swait.ge [sflag:s7], s5  }
0x17: {  	s5 =	ssub.s32 $0x0, s5;
	[sflag:s7] =	ssyncset.done $0x0  }
0x18: {  	[sflag:s7] =	ssyncadd.s32 s5;
	_ =	sdelay $0x1  }
0x19: {  	s24 =	simm.s32 $0x1B8B  }
0x1a: {  	_ =	swait.ge [sflag:s24], $0x1  }
0x1b: {  	[sflag:s24] =	ssyncset.done $0x0  }
0x1c: {  	[sflag:s24] =	ssyncadd.s32 $0xFFFFFFFF  }
0x1d: {  	s5 =	sld [smem:$0x0]  }
0x1e: {  	s6 =	sand.u32 $0xFFFFFFFE, s1  }
0x1f: {  	p0 =	sne.s32 s1, s6  }
0x20: {  	s6 =	sshll.u32 @p0 s6, $0xE  }
0x21: {  	s6 =	sadd.s32 @p0 $0x11B8D, s6;
	s7 =	sshll.u32 @p0 s5, $0x11  }
0x22: {  	s6 =	sor.u32 @p0 s7, s6  }
0x23: {  	[sflag:s6] =	ssyncadd.remote.s32 @p0 $0x1;
	_ =	sdelay $0x1  }
0x24: {  	s6 =	simm.s32 @p0 $0x1B8D  }
0x25: {  	_ =	swait.eq @p0 [sflag:s6], $0x1  }
0x26: {  	[sflag:s6] =	ssyncadd.s32 @p0 $0xFFFFFFFF  }
0x27: {  	s7 =	sshll.u32 @!p0 s1, $0xE  }
0x28: {  	s7 =	sor.u32 @!p0 $0x4000, s7;
	s6 =	simm.s32 @!p0 $0x1B8D  }
0x29: {  	s5 =	sshll.u32 @!p0 s5, $0x11;
	s7 =	sadd.s32 @!p0 $0x11B8D, s7;
	_ =	swait.eq @!p0 [sflag:s6], $0x1  }
0x2a: {  	s5 =	sor.u32 @!p0 s5, s7;
	[sflag:s6] =	ssyncadd.s32 @!p0 $0xFFFFFFFF  }
0x2b: {  	s26 =	simm.s32 $0x1B8E;
	s25 =	sld [smem:$0x3FFE];
	[sflag:s5] =	ssyncadd.remote.s32 @!p0 $0x1  }
0x2c: {  	s27 =	simm.s32 $execute0_lowered;
	[smem:$0x3FD2] =	sst s26  }
0x2d: {  	s6 =	sshll.u32 s27, $0x1;
	_ =	strace $0x80000049;
	[dreg:$0x1] =	wrdreg $0xFFFFFFFF  }
0x2e: {  	s28 =	simm.s32 $_size_execute0_lowered;
	s4 =	sadd.s32 s4, s6;
	[dreg:$0x0] =	wrdreg $0x0  }
0x2f: {  	s6 =	sshll.u32 s28, $0x1;
	[dreg:$0x2] =	wrdreg s4  }
0x30: {  	[dreg:$0x3] =	wrdreg s6  }
0x31: {  	[dreg:$0x4] =	wrdreg $0xC0  }
0x32: {  	_ =	task [dreg:s23], $0x5FFFF  }
0x33: {  	[dreg:$0x1] =	wrdreg $0xFFFFFFFF  }
0x34: {  	[dreg:$0x0] =	wrdreg $0x60  }
0x35: {  	[dreg:$0x2] =	wrdreg s19  }
0x36: {  	[dreg:$0x3] =	wrdreg s25  }
0x37: {  	[dreg:$0x4] =	wrdreg $0x9  }
0x38: {  	_ =	task.clear_ibuf [dreg:s23], $0x5FFFF;
	_ =	strace $0x90000049  }
0x39: {  	s29 =	simm.s32 $0x9;
	_ =	strace $0x8000004B  }
0x3a: {  	_ =	swait.ge [sflag:s29], $0x1  }
0x3b: {  	[sflag:s29] =	ssyncadd.s32 $0xFFFFFFFF  }
0x3c: {  	_ =	strace $0x9000004B  }
0x3d: {  	_ =	sfence  }
0x3e: {  	s30 =	sld [smem:$0x0];
	_ =	sdelay $0x2  }
0x3f: {  	s31 =	sshll.u32 s1, $0xD;
	s1 =	sshrl.u32 s1, $0x2  }
0x40: {  	s4 =	sand.u32 $0x4000, s31;
	s1 =	sadd.s32 s1, s30  }
0x41: {  	s0 =	sor.u32 s4, s0;
	s1 =	sshll.u32 s1, $0x11  }
0x42: {  	s0 =	sor.u32 s1, s0  }
0x43: {  	s0 =	sadd.s32 $0x8F2B, s0  }
0x44: {  	[sflag:s0] =	ssyncadd.remote.s32 $0x1  }
0x45: {  	_ =	sfence.sel $0xFFFF  }
0x46: {  	[dreg:$0x0] =	wrdreg $0xFFFFFFFF;
	(pc) =	sbr.abs _section_cstart, $3  }
0x47: {  	[dreg:$0x1] =	wrdreg $0xFFFFFFFF  }
0x48: {  	_ =	task.clear_ibuf [dreg:s23], $0x2FFFF;
	_ =	strace $0x9FFFFFFF  }
0x49: {  	(tm) =	ssettm $0x7FFFFFFF  }
tec
execute0_lowered:
.L_overlay_start_1:
0x0: {  	(tag) =	ssettag $0x1  }
0x1: {  	s7 =	rddreg [dreg:$0x0]  }
0x2: {  	s0 =	rddreg [dreg:$0x1]  }
0x3: {  	_ =	strace $0x8000004A;
	s30 =	srdreg.scid;
	s2 =	stileid.u32  }
0x4: {  	s1 =	simm.s32 $0x1;
	s31 =	simm.s32 $0x2;
	s16 =	simm.s32 $0x0  }
0x5: {  	s18 =	simm.s32 $0x0;
	s17 =	simm.s32 $0x0;
	s10 =	simm.s32 $0x0  }
.Ltmp0:
0x6: {  	s11 =	simm.s32 $0x0;
	s0 =	sadd.s32 $0x888A00, s0;
	(pc) =	sbr.rel .LBB1_1-.Ltmp0, $4  }
0x7: {  	s13 =	simm.s32 $0x0;
	[dreg:$0x3] =	wrdreg s0;
	s0 =	sshll.u32 s30, $0x4  }
0x8: {  	s12 =	simm.s32 $0x0;
	s15 =	simm.s32 $0x0;
	s0 =	sand.u32 $0x10, s0  }
0x9: {  	s8 =	simm.s32 $0x0;
	[sflag:s1] =	ssyncpa.u1 $0x0;
	s9 =	sor.u32 s2, s0  }
0xa: {  	[sflag:s31] =	ssyncpa.u1 $0x0;
	s14 =	smov.u32 s9;
	[dreg:$0x4] =	wrdreg s9  }
.LBB1_14:
0xb: {  	s10 =	rddreg [dreg:$0x5]  }
0xc: {  	s13 =	rddreg [dreg:$0x8]  }
0xd: {  	s3 =	rddreg [dreg:$0xe]  }
0xe: {  	s5 =	rddreg [dreg:$0x10]  }
0xf: {  	s23 =	rddreg [dreg:$0xf]  }
0x10: {  	s11 =	rddreg [dreg:$0x6]  }
0x11: {  	s26 =	rddreg [dreg:$0x3]  }
0x12: {  	s29 =	rddreg [dreg:$0x11]  }
0x13: {  	s7 =	rddreg [dreg:$0x0]  }
0x14: {  	s9 =	rddreg [dreg:$0x4]  }
0x15: {  	s12 =	rddreg [dreg:$0x7]  }
0x16: {  	s14 =	rddreg [dreg:$0x9]  }
0x17: {  	s15 =	rddreg [dreg:$0xa]  }
0x18: {  	s16 =	rddreg [dreg:$0xb]  }
0x19: {  	s17 =	rddreg [dreg:$0xc]  }
0x1a: {  	s31 =	simm.s32 $0x80;
	s18 =	rddreg [dreg:$0xd]  }
0x1b: {  	s0 =	sshll.u32 s10, $0x7;
	s1 =	sshll.u32 s13, $0x3;
	p0 =	sgt.s32 s13, $0x60  }
0x1c: {  	s24 =	smul.u32 $0x22200, s11;
	s2 =	sand.u32 $0xFFFFFC00, s0;
	s1 =	sand.u32 $0xFFFFFC00, s1  }
0x1d: {  	s0 =	sand.u32 $0x380, s0;
	s1 =	sadd.s32 s1, s2;
	s2 =	smov.u32 s13  }
0x1e: {  	s0 =	sor.u32 s0, s1;
	s2 =	simm.s32 @!p0 $0x60;
	p0 =	sgt.s32 s10, $0x21A0  }
0x1f: {  	s1 =	smov.u32 s10;
	s0 =	sshrl.u32 s0, $0x7;
	s2 =	sadd.s32 s3, s2  }
0x20: {  	s1 =	simm.s32 @!p0 $0x21A0;
	s21 =	smulhi.u32 $0xF00F01, s0;
	s4 =	sadd.s32 $0xFFFFFFA0, s2  }
0x21: {  	s1 =	sadd.s32 s5, s1;
	s2 =	ssub.s32 $0x80, s2;
	p0 =	sgt.s32 s4, $0x1F  }
0x22: {  	s22 =	sadd.s32 $0xFFFFDE60, s1;
	s1 =	ssub.s32 $0x2220, s1;
	s2 =	simm.s32 @p0 $0x0  }
0x23: {  	s3 =	sshrl.u32 s21, $0x5;
	p0 =	sgt.s32 s22, $0x7F;
	s2 =	smul.u32 s2, s23  }
0x24: {  	s27 =	sand.u32 $0x7, s13;
	s3 =	smul.u32 $0x2220, s3;
	s1 =	simm.s32 @p0 $0x0  }
0x25: {  	s25 =	sshrl.u32 s13, $0x3;
	s28 =	sshll.u32 s27, $0x12;
	s1 =	smul.u32 s1, s2  }
0x26: {  	s0 =	ssub.s32 s0, s3;
	s3 =	sand.u32 $0xF, s25;
	s2 =	sadd.s32 s26, s24  }
0x27: {  	s30 =	sor.u32 $0x20, s28;
	s0 =	sshll.u32 s0, $0x4;
	s2 =	sadd.s32 s3, s2  }
0x28: {  	s4 =	sor.u32 $0x2000, s29;
	s1 =	sand.u32 $0x3FFFFFFF, s1;
	s0 =	sadd.s32 s0, s2  }
0x29: {  	[hbm4b:s0+s30] =	stream.strided.scatter [tilespmem:s4], [sflag:$0x2], s1, s31, s30, $0x10;
	[tilespmem:$0x4100] =	vst v63  }
.LBB1_15:
0x2a: {  	p0 =	slt.u32 s8, $0x2  }
0x2b: {  	p1 =	sgt.s32 @!p0 s18, $0x3F  }
0x2c: {  	s0 =	smov.u32 s18;
	s1 =	sshra.s32 @!p0 s18, $0x1F;
	p1 =	por !p1, p0  }
0x2d: {  	s1 =	sand.u32 @!p0 s1, s18;
	s0 =	simm.s32 @p1 $0x3F  }
0x2e: {  	s3 =	smov.u32 s16;
	s0 =	ssub.s32 @!p0 s0, s1  }
0x2f: {  	p2 =	sgt.s32 @!p0 s17, $0x60;
	s2 =	sshra.s32 @!p0 s17, $0x1F;
	s1 =	sadd.s32 @!p0 $0xFFFFFFC1, s0  }
0x30: {  	p2 =	por !p2, p0;
	p1 =	sgt.s32 @!p0 s1, $0x0;
	s1 =	smov.u32 s17  }
0x31: {  	s2 =	sand.u32 @!p0 s2, s17;
	s1 =	simm.s32 @p2 $0x60;
	p2 =	sgt.s32 @!p0 s16, $0x21A0  }
0x32: {  	s0 =	ssub.s32 @!p0 $0x40, s0;
	p1 =	por !p1, p0;
	p2 =	por !p2, p0  }
0x33: {  	s1 =	ssub.s32 @!p0 s1, s2;
	s2 =	sshra.s32 @!p0 s16, $0x1F;
	s0 =	simm.s32 @!p1 $0x0  }
0x34: {  	s3 =	simm.s32 @p2 $0x21A0;
	s2 =	sand.u32 @!p0 s2, s16;
	s4 =	sadd.s32 @!p0 $0xFFFFFFA0, s1  }
0x35: {  	s1 =	ssub.s32 @!p0 $0x80, s1;
	s2 =	ssub.s32 @!p0 s3, s2;
	p1 =	sgt.s32 @!p0 s4, $0x1F  }
0x36: {  	s4 =	smov.u32 s14;
	s3 =	sadd.s32 @!p0 $0xFFFFDE60, s2;
	p1 =	por !p1, p0  }
0x37: {  	s2 =	ssub.s32 @!p0 $0x2220, s2;
	p2 =	sgt.s32 @!p0 s3, $0x7F;
	s1 =	simm.s32 @!p1 $0x0  }
0x38: {  	p1 =	por !p2, p0;
	s0 =	smul.u32 @!p0 s1, s0;
	s1 =	sadd.s32 $0x80, s12  }
0x39: {  	s3 =	sadd.s32 $0x20, s14;
	s2 =	simm.s32 @!p1 $0x0;
	p1 =	sgt.s32 s1, $0x221B  }
0x3a: {  	s0 =	smul.u32 @!p0 s2, s0;
	s4 =	smov.u32 @p1 s3  }
0x3b: {  	s2 =	sadd.s32 $0x20, s15;
	s3 =	smov.u32 s15;
	p2 =	sgt.s32 s4, $0x3F  }
0x3c: {  	s8 =	sadd.s32 $0x1, s8;
	s3 =	smov.u32 @p2 s2  }
0x3d: {  	s18 =	smov.u32 s11;
	s1 =	simm.s32 @p1 $0x0;
	p1 =	sgt.s32 s3, $0x18  }
0x3e: {  	s11 =	smov.u32 s14;
	s3 =	simm.s32 @p1 $0x0;
	p1 =	sne.s32 s8, $0x8C  }
.Ltmp1:
0x3f: {  	s17 =	smov.u32 s13;
	s13 =	smov.u32 s15;
	(pc) =	sbr.rel @!p1 .LBB1_16-.Ltmp1, $4  }
0x40: {  	s16 =	smov.u32 s10;
	s0 =	sand.u32 @!p0 $0x3FFFFFFF, s0;
	s2 =	simm.s32 @!p0 $0x2  }
0x41: {  	s10 =	smov.u32 s12;
	s12 =	smov.u32 s1;
	_ =	swait.ge @!p0 [sflag:s2], s0  }
0x42: {  	s4 =	smov.u32 @p2 s9;
	s0 =	ssub.s32 @!p0 $0x0, s0;
	[sflag:s2] =	ssyncset.done @!p0 $0x0  }
0x43: {  	s14 =	smov.u32 s4;
	[sflag:s2] =	ssyncadd.s32 @!p0 s0;
	s15 =	smov.u32 s3  }
.LBB1_1:
0x44: {  	p0 =	sgt.u32 s8, $0x89;
	s4 =	smov.u32 s14  }
0x45: {  	s5 =	smov.u32 s12;
	s0 =	sshrl.u32 @!p0 s14, $0x3;
	s1 =	sshll.u32 @!p0 s12, $0x3  }
0x46: {  	s2 =	sshll.u32 @!p0 s14, $0x7;
	p1 =	sgt.s32 @!p0 s15, $0xFFFFFFF9;
	s0 =	smul.u32 @!p0 $0x11400, s0  }
0x47: {  	s3 =	sshra.s32 @!p0 s15, $0x1F;
	p2 =	sgt.s32 @!p0 s14, $0x3F;
	s1 =	sand.u32 @!p0 $0xFFFFFC00, s1  }
0x48: {  	s6 =	sshra.s32 @!p0 s12, $0x1F;
	s0 =	sadd.s32 @!p0 s0, s1;
	s1 =	sand.u32 @!p0 $0x380, s2  }
0x49: {  	p1 =	por !p1, p0;
	s0 =	sor.u32 @!p0 s1, s0;
	s1 =	smov.u32 s15  }
0x4a: {  	s3 =	sand.u32 @!p0 s3, s15;
	s6 =	sand.u32 @!p0 s6, s12;
	s1 =	simm.s32 @p1 $0xFFFFFFF9  }
0x4b: {  	s2 =	sand.u32 @!p0 $0x7F, s12;
	p1 =	por !p2, p0;
	s1 =	ssub.s32 @!p0 s1, s3  }
0x4c: {  	s4 =	simm.s32 @p1 $0x3F;
	p1 =	sgt.s32 @!p0 s12, $0x2200;
	s3 =	sshra.s32 @!p0 s14, $0x1F  }
0x4d: {  	s2 =	sor.u32 @!p0 s2, s0;
	p1 =	por !p1, p0;
	s3 =	sand.u32 @!p0 s3, s14  }
0x4e: {  	s0 =	smulhi.u32 @!p0 $0x76B981DB, s0;
	s5 =	simm.s32 @p1 $0x2200;
	s3 =	ssub.s32 @!p0 s4, s3  }
0x4f: {  	s4 =	sadd.s32 @!p0 $0x7, s1;
	s1 =	ssub.s32 @!p0 $0x19, s1;
	s5 =	ssub.s32 @!p0 s5, s6  }
0x50: {  	p1 =	sgt.s32 @!p0 s4, $0x1F;
	s4 =	sadd.s32 @!p0 $0xFFFFFFC1, s3;
	s3 =	ssub.s32 @!p0 $0x40, s3  }
0x51: {  	p2 =	sgt.s32 @!p0 s4, $0x0;
	s4 =	smulhi.u32 @!p0 $0x76B981DB, s2;
	p1 =	por !p1, p0  }
0x52: {  	s6 =	sadd.s32 @!p0 $0xFFFFDE00, s5;
	s1 =	simm.s32 @!p1 $0x0;
	p1 =	por !p2, p0  }
0x53: {  	p3 =	sgt.s32 @!p0 s6, $0x7F;
	s3 =	simm.s32 @!p1 $0x0;
	s4 =	sshrl.u32 @!p0 s4, $0xC  }
0x54: {  	p1 =	por !p3, p0;
	s1 =	smul.u32 @!p0 s1, s3;
	s3 =	ssub.s32 @!p0 $0x2280, s5  }
0x55: {  	s4 =	smul.u32 @!p0 $0x2280, s4;
	s3 =	simm.s32 @!p1 $0x0  }
0x56: {  	s0 =	sshrl.u32 @!p0 s0, $0xC;
	s5 =	sxor.u32 @!p0 $0xFFFFFFFF, s8;
	s1 =	smul.u32 @!p0 s3, s1  }
0x57: {  	s0 =	sand.u32 @!p0 $0x3F, s0;
	s3 =	sshll.u32 @!p0 s5, $0xC;
	s5 =	smul.u32 @!p0 $0x11400, s15  }
0x58: {  	s0 =	smul.u32 @!p0 $0x450, s0;
	s2 =	ssub.s32 @!p0 s2, s4;
	s3 =	sand.u32 @!p0 $0x1000, s3  }
0x59: {  	s1 =	sand.u32 @!p0 $0x3FFFFFFF, s1;
	s4 =	sadd.s32 @!p0 s7, s5;
	s5 =	sand.u32 @!p0 $0x7, s2  }
0x5a: {  	s2 =	sshrl.u32 @!p0 s2, $0x3;
	s0 =	sadd.s32 @!p0 s0, s4;
	s4 =	sshll.u32 @!p0 s5, $0x12  }
0x5b: {  	s0 =	sadd.s32 @!p0 s2, s0;
	s2 =	sor.u32 @!p0 $0x80, s4;
	s4 =	simm.s32 @!p0 $0x8A000  }
0x5c: {  	[tilespmem:s3], [sflag:$0x1] =	stream.strided.gather @!p0 [hbm4b:s0+s2], s1, s4, s2, $0x38;
	[tilespmem:$0x4100] =	vst v63  }
0x5d: {  	p0 =	seq.s32 s8, $0x0  }
0x5e: {  	p1 =	seq.s32 @!p0 s8, $0x8B  }
0x5f: {  	p0 =	por p0, p1  }
.Ltmp2:
0x60: {  	_ = 	snop;
	(pc) =	sbr.rel @p0 .LBB1_15-.Ltmp2, $1  }
0x61: {  	_ =	sdelay $0x3  }
0x62: {  	[dreg:$0xd] =	wrdreg s18  }
0x63: {  	[dreg:$0xc] =	wrdreg s17  }
0x64: {  	[dreg:$0xb] =	wrdreg s16;
	s0 =	ssub.s32 $0x0, s13;
	s1 =	sshra.s32 s13, $0x1F  }
0x65: {  	p0 =	sgt.s32 s13, $0xFFFFFFF9;
	s2 =	smov.u32 s13;
	s27 =	sshra.s32 s11, $0x1F  }
0x66: {  	p1 =	sgt.s32 s10, $0x2200;
	s4 =	ssub.s32 $0x0, s10;
	s5 =	sshra.s32 s10, $0x1F  }
0x67: {  	s0 =	sand.u32 s0, s1;
	s2 =	simm.s32 @!p0 $0xFFFFFFF9;
	p0 =	sgt.s32 s11, $0x3F  }
0x68: {  	s1 =	smov.u32 s11;
	s28 =	sand.u32 s4, s5;
	[dreg:$0xe] =	wrdreg s0  }
0x69: {  	s0 =	sadd.s32 s0, s2;
	s1 =	simm.s32 @!p0 $0x3F;
	s2 =	sand.u32 s27, s11  }
0x6a: {  	s3 =	sadd.s32 $0x7, s0;
	s1 =	ssub.s32 s1, s2;
	s0 =	ssub.s32 $0x19, s0  }
0x6b: {  	p0 =	sgt.s32 s3, $0x1F;
	s2 =	sadd.s32 $0xFFFFFFC1, s1;
	s3 =	smov.u32 s10  }
0x6c: {  	s3 =	simm.s32 @!p1 $0x2200;
	p1 =	sgt.s32 s2, $0x0;
	s2 =	ssub.s32 $0x40, s1  }
0x6d: {  	s0 =	simm.s32 @p0 $0x0;
	s2 =	simm.s32 @p1 $0x0;
	s1 =	sadd.s32 s28, s3  }
0x6e: {  	[dreg:$0xf] =	wrdreg s2;
	s0 =	smul.u32 s0, s2;
	s29 =	sadd.s32 $0xFFFFDE00, s1  }
0x6f: {  	s1 =	ssub.s32 $0x2280, s1;
	s2 =	sadd.s32 $0x20, s13;
	p0 =	sgt.s32 s29, $0x7F  }
0x70: {  	s3 =	sadd.s32 $0x1, s11;
	s1 =	simm.s32 @p0 $0x0;
	p0 =	slt.s32 s2, $0x19  }
0x71: {  	[dreg:$0xa] =	wrdreg s15;
	s2 =	simm.s32 @!p0 $0x19;
	p0 =	slt.s32 s3, $0x40  }
0x72: {  	[dreg:$0x9] =	wrdreg s14;
	s21 =	ssub.s32 s2, s13;
	s3 =	simm.s32 @!p0 $0x40  }
0x73: {  	[dreg:$0x7] =	wrdreg s12;
	s22 =	ssub.s32 s3, s11;
	p0 =	slt.s32 s21, $0x1  }
0x74: {  	[dreg:$0x5] =	wrdreg s10;
	p1 =	slt.s32 @!p0 s22, $0x1  }
0x75: {  	[dreg:$0x8] =	wrdreg s13;
	s0 =	smul.u32 s1, s0;
	p1 =	por p0, p1  }
.Ltmp3:
0x76: {  	[dreg:$0x6] =	wrdreg s11;
	s30 =	simm.s32 $0x1;
	(pc) =	sbr.rel @p1 .LBB1_14-.Ltmp3, $4  }
0x77: {  	[dreg:$0x10] =	wrdreg s28;
	s1 =	sand.u32 $0x3FFFFFFF, s0;
	s0 =	sand.u32 $0x1, s8  }
0x78: {  	_ =	swait.ge [sflag:s30], s1;
	s31 =	smul.u32 $0x1080, s0  }
0x79: {  	s1 =	ssub.s32 $0x0, s1;
	[sflag:s30] =	ssyncset.done $0x0  }
0x7a: {  	[sflag:s30] =	ssyncadd.s32 s1;
	[dreg:$0x11] =	wrdreg s31  }
0x7b: {  	s2 =	rddreg [dreg:$0x5]  }
0x7c: {  	s1 =	sadd.s32 $0x80, s2  }
0x7d: {  	p1 =	slt.s32 s1, $0x221C  }
.Ltmp4:
0x7e: {  	s1 =	simm.s32 @!p1 $0x221C;
	(pc) =	sbr.rel .LBB1_4-.Ltmp4, $4  }
0x7f: {  	s1 =	ssub.s32 s1, s2  }
0x80: {  	s25 =	sshll.u32 @!p0 s0, $0xC;
	s0 =	rddreg [dreg:$0x11];
	s1 =	sadd.s32 $0xF, s1  }
0x81: {  	s27 =	simm.s32 $0x0;
	s23 =	sand.u32 $0xFFFFFFF0, s1;
	s24 =	sand.u32 @!p0 $0xFFFFFF00, s1  }
0x82: {  	s26 =	sor.u32 @!p0 $0x2000, s0;
	p0 =	slt.s32 s1, $0x100;
	p1 =	sge.s32 s24, s23  }
.LBB1_13:
0x83: {  	s27 =	sadd.s32 $0x1, s27  }
0x84: {  	p2 =	sne.s32 s27, s21  }
.Ltmp5:
0x85: {  	_ = 	snop;
	(pc) =	sbr.rel @!p2 .LBB1_14-.Ltmp5, $1  }
0x86: {  	_ =	sdelay $0x3  }
.LBB1_4:
0x87: {  	s28 =	sshrl.u32 s27, $0x4;
	s0 =	sshll.u32 s27, $0x3;
	s1 =	sshll.u32 s27, $0x9  }
0x88: {  	s29 =	sand.u32 $0x7F, s27;
	s2 =	sand.u32 $0x78, s28;
	s3 =	sadd.s32 $0x800, s0  }
0x89: {  	s5 =	sadd.s32 $0x1000, s0;
	s6 =	sadd.s32 $0x1800, s0;
	s1 =	sshra.s32 s1, $0x2  }
0x8a: {  	s17 =	sadd.s32 $0x2800, s0;
	s19 =	sadd.s32 $0x3000, s0;
	s0 =	sadd.s32 $0x3800, s0  }
0x8b: {  	s4 =	smul.u32 $0x84, s2;
	s3 =	sshrl.u32 s3, $0x7;
	s2 =	sxor.u32 $0x40, s2  }
0x8c: {  	s5 =	sshrl.u32 s5, $0x7;
	s3 =	sand.u32 $0x78, s3;
	s9 =	smul.u32 $0x84, s2  }
0x8d: {  	s6 =	sshrl.u32 s6, $0x7;
	s5 =	sand.u32 $0x78, s5;
	s3 =	smul.u32 $0x84, s3  }
0x8e: {  	s18 =	sshrl.u32 s17, $0x7;
	s6 =	sand.u32 $0x78, s6;
	s5 =	smul.u32 $0x84, s5  }
0x8f: {  	s31 =	sadd.s32 s29, s26;
	s2 =	sand.u32 $0x78, s18;
	s7 =	smul.u32 $0x84, s6  }
0x90: {  	s0 =	sshrl.u32 s0, $0x7;
	s30 =	sadd.s32 s1, s25;
	s10 =	smul.u32 $0x84, s2  }
.Ltmp6:
0x91: {  	s0 =	sand.u32 $0x78, s0;
	s6 =	sshrl.u32 s19, $0x7;
	(pc) =	sbr.rel .LBB1_5-.Ltmp6, $4  }
0x92: {  	s17 =	simm.s32 $0x0;
	s12 =	smul.u32 $0x84, s0;
	s20 =	sand.u32 $0x78, s6  }
0x93: {  	s0 =	sshrl.u32 s4, $0x2;
	s11 =	smul.u32 $0x84, s20;
	s1 =	sshrl.u32 s3, $0x2  }
0x94: {  	s6 =	sshrl.u32 s5, $0x2;
	s2 =	sshrl.u32 s7, $0x2;
	s3 =	sshrl.u32 s9, $0x2  }
0x95: {  	s4 =	sshrl.u32 s10, $0x2;
	s20 =	sshrl.u32 s12, $0x2;
	s5 =	sshrl.u32 s11, $0x2  }
.LBB1_12:
0x96: {  	s17 =	sadd.s32 $0x1, s17  }
0x97: {  	p2 =	sne.s32 s17, s22  }
.Ltmp7:
0x98: {  	_ = 	snop;
	(pc) =	sbr.rel @!p2 .LBB1_13-.Ltmp7, $1  }
0x99: {  	_ =	sdelay $0x3  }
.LBB1_5:
.Ltmp8:
0x9a: {  	(pc) =	sbr.rel @p0 .LBB1_9-.Ltmp8, $2  }
0x9b: {  	_ =	sdelay $0x2  }
0x9c: {  	s19 =	smul.u32 $0x4200, s17  }
0x9d: {  	s9 =	sshll.u32 s17, $0x7  }
0x9e: {  	s13 =	sand.u32 $0x380, s9  }
0x9f: {  	s7 =	sshra.s32 s19, $0x2;
	s18 =	sadd.s32 s13, s30  }
0xa0: {  	s10 =	sadd.s32 s7, s26;
	v0 =	vld [tilespmem:s18+$0x70]  }
0xa1: {  	s14 =	sadd.s32 s0, s10;
	s11 =	sadd.s32 s1, s10;
	v3 =	vld [tilespmem:s18+$0x60]  }
0xa2: {  	s15 =	sadd.s32 s6, s10;
	s16 =	sadd.s32 s2, s10;
	s12 =	sadd.s32 s3, s10;
	v1 =	vld [tilespmem:s18+$0x50]  }
0xa3: {  	s13 =	sadd.s32 s20, s10;
	v2 =	vld [tilespmem:s18+$0x40];
	s7 =	sadd.s32 s29, s15;
	s15 =	sadd.s32 s29, s16  }
0xa4: {  	v4 =	vld [tilespmem:s18+$0x30];
	s16 =	sadd.s32 s29, s12;
	s12 =	sadd.s32 s5, s10;
	s13 =	sadd.s32 s29, s13  }
0xa5: {  	v5 =	vld [tilespmem:s18+$0x20];
	s9 =	sadd.s32 s29, s11;
	s11 =	sadd.s32 s4, s10;
	s10 =	sadd.s32 s29, s12;
	[tilespmem:s13+$0x0 ss:$0x21] =	vst.msk $0xffff, v0  }
0xa6: {  	v6 =	vld [tilespmem:s18+$0x10];
	s11 =	sadd.s32 s29, s11;
	[tilespmem:s10+$0x0 ss:$0x21] =	vst.msk $0xffff, v3  }
0xa7: {  	v7 =	vld [tilespmem:s18+$0x0];
	[tilespmem:s11+$0x0 ss:$0x21] =	vst.msk $0xffff, v1  }
0xa8: {  	[tilespmem:s16+$0x0 ss:$0x21] =	vst.msk $0xffff, v2  }
0xa9: {  	[tilespmem:s15+$0x0 ss:$0x21] =	vst.msk $0xffff, v4  }
0xaa: {  	p2 =	sgt.s32 s24, $0x100;
	[tilespmem:s7+$0x0 ss:$0x21] =	vst.msk $0xffff, v5  }
.Ltmp9:
0xab: {  	s14 =	sadd.s32 s29, s14;
	[tilespmem:s9+$0x0 ss:$0x21] =	vst.msk $0xffff, v6;
	(pc) =	sbr.rel @!p2 .LBB1_8-.Ltmp9, $4  }
0xac: {  	[tilespmem:s14+$0x0 ss:$0x21] =	vst.msk $0xffff, v7  }
0xad: {  	[tilespmem:s14+$0x0 ss:$0x21] =	vst.msk $0xffff, v7  }
0xae: {  	[tilespmem:s9+$0x0 ss:$0x21] =	vst.msk $0xffff, v6  }
0xaf: {  	s12 =	simm.s32 $0x100;
	[tilespmem:s7+$0x0 ss:$0x21] =	vst.msk $0xffff, v5  }
.LBB1_7:
0xb0: {  	v5 =	vld [tilespmem:s18+$0x70];
	[tilespmem:s15+$0x0 ss:$0x21] =	vst.msk $0xffff, v4  }
0xb1: {  	v6 =	vld [tilespmem:s18+$0x60];
	[tilespmem:s16+$0x0 ss:$0x21] =	vst.msk $0xffff, v2  }
0xb2: {  	[tilespmem:s11+$0x0 ss:$0x21] =	vst.msk $0xffff, v1;
	v1 =	vld [tilespmem:s18+$0x50]  }
0xb3: {  	v2 =	vld [tilespmem:s18+$0x40];
	[tilespmem:s10+$0x0 ss:$0x21] =	vst.msk $0xffff, v3  }
0xb4: {  	v4 =	vld [tilespmem:s18+$0x30];
	[tilespmem:s13+$0x0 ss:$0x21] =	vst.msk $0xffff, v0  }
0xb5: {  	v7 =	vld [tilespmem:s18+$0x20];
	[tilespmem:s13+$0x0 ss:$0x21] =	vst.msk $0xffff, v5;
	v0 =	vmov v5  }
0xb6: {  	v5 =	vld [tilespmem:s18+$0x10];
	[tilespmem:s10+$0x0 ss:$0x21] =	vst.msk $0xffff, v6;
	v3 =	vmov v6  }
0xb7: {  	s12 =	sadd.s32 $0x100, s12;
	v6 =	vld [tilespmem:s18+$0x0];
	[tilespmem:s11+$0x0 ss:$0x21] =	vst.msk $0xffff, v1  }
0xb8: {  	p2 =	slt.s32 s12, s24;
	[tilespmem:s16+$0x0 ss:$0x21] =	vst.msk $0xffff, v2  }
0xb9: {  	[tilespmem:s15+$0x0 ss:$0x21] =	vst.msk $0xffff, v4  }
0xba: {  	[tilespmem:s7+$0x0 ss:$0x21] =	vst.msk $0xffff, v7  }
.Ltmp10:
0xbb: {  	[tilespmem:s9+$0x0 ss:$0x21] =	vst.msk $0xffff, v5;
	(pc) =	sbr.rel @p2 .LBB1_7-.Ltmp10, $4  }
0xbc: {  	[tilespmem:s14+$0x0 ss:$0x21] =	vst.msk $0xffff, v6  }
0xbd: {  	[tilespmem:s14+$0x0 ss:$0x21] =	vst.msk $0xffff, v6  }
0xbe: {  	[tilespmem:s9+$0x0 ss:$0x21] =	vst.msk $0xffff, v5  }
0xbf: {  	[tilespmem:s7+$0x0 ss:$0x21] =	vst.msk $0xffff, v7  }
.LBB1_8:
0xc0: {  	[tilespmem:s15+$0x0 ss:$0x21] =	vst.msk $0xffff, v4  }
0xc1: {  	[tilespmem:s16+$0x0 ss:$0x21] =	vst.msk $0xffff, v2  }
0xc2: {  	[tilespmem:s11+$0x0 ss:$0x21] =	vst.msk $0xffff, v1  }
0xc3: {  	[tilespmem:s10+$0x0 ss:$0x21] =	vst.msk $0xffff, v3  }
0xc4: {  	[tilespmem:s13+$0x0 ss:$0x21] =	vst.msk $0xffff, v0  }
.LBB1_9:
.Ltmp11:
0xc5: {  	(pc) =	sbr.rel @p1 .LBB1_12-.Ltmp11, $1  }
0xc6: {  	_ =	sdelay $0x3  }
0xc7: {  	s7 =	sand.u32 $0x7, s17  }
0xc8: {  	s7 =	sadd.s32 s27, s7  }
0xc9: {  	s7 =	sshll.u32 s7, $0x9  }
0xca: {  	s7 =	sshra.s32 s7, $0x2  }
0xcb: {  	s9 =	sadd.s32 s7, s25  }
0xcc: {  	v0 =	vmov s9  }
0xcd: {  	s19 =	sshra.s32 s19, $0x2  }
0xce: {  	s7 =	sadd.s32 s19, s31;
	s9 =	smov.u32 s24  }
.LBB1_11:
0xcf: {  	s11 =	sadd.s32 s9, s28  }
0xd0: {  	s10 =	sand.u32 $0x70, s9;
	s9 =	sadd.s32 $0x10, s9;
	s19 =	sand.u32 $0x78, s11  }
0xd1: {  	v1 =	vld.idx.msk [tilespmem:v0+s10+$0x0 ss:$0x1], $0xffff;
	p2 =	slt.s32 s9, s23;
	s10 =	smul.u32 $0x84, s19  }
.Ltmp12:
0xd2: {  	_ = 	snop;
	(pc) =	sbr.rel @p2 .LBB1_11-.Ltmp12, $4  }
0xd3: {  	_ = 	snop  }
0xd4: {  	s10 =	sshrl.u32 s10, $0x2  }
0xd5: {  	s10 =	sadd.s32 s10, s7  }
0xd6: {  	[tilespmem:s10+$0x0 ss:$0x21] =	vst.msk $0xffff, v1  }
.Ltmp13:
0xd7: {  	_ = 	snop;
	(pc) =	sbr.rel .LBB1_12-.Ltmp13, $1  }
0xd8: {  	_ =	sdelay $0x3  }
.LBB1_16:
0xd9: {  	_ =	sfence.sel $0x180000  }
0xda: {  	s0 =	simm.s32 $0x1;
	[bflag:$0x0] =	sbarrier.arrive $0xFFFF  }
0xdb: {  	s30 =	simm.s32 $0x2;
	[sflag:s0] =	ssyncpa.u1 $0x1  }
0xdc: {  	[sflag:s30] =	ssyncpa.u1 $0x1  }
0xdd: {  	_ =	strace $0x9000004A  }
0xde: {  	s31 =	stileid.u32;
	[bflag:$0x2] =	sbarrier.arrive $0xFFFF  }
0xdf: {  	p0 =	sne.s32 s31, $0x0;
	s0 =	rddreg [dreg:$0x2]  }
0xe0: {  	s0 =	sadd.s32 @!p0 $0x100000, s0  }
0xe1: {  	[sflag:s0] =	ssyncadd.tile.s32 @!p0 $0x1;
	_ =	shalt  }
.Lfunc_end1:
_tile_overlayer_lowered:
.L_overlay_start_2:
0xe2: {  	(tag) =	ssettag $0x2  }
0xe3: {  	s0 =	rddreg [dreg:$0x0];
	s2 =	stileid.u32  }
0xe4: {  	s1 =	rddreg [dreg:$0x1];
	p0 =	sne.s32 s2, $0x0  }
0xe5: {  	s3 =	rddreg [dreg:$0x2];
	[bflag:$0x3] =	sbarrier.arrive $0xFFFF;
	s2 =	simm.s32 @!p0 $0x1C01  }
0xe6: {  	[timem:s3], [sflag:s2] =	dma.local @!p0 [hbm:s0], s1  }
0xe7: {  	s0 =	simm.s32 @!p0 $0x1  }
0xe8: {  	_ =	swait.ge @!p0 [sflag:s0], s1  }
0xe9: {  	s1 =	ssub.s32 @!p0 $0x0, s1;
	[sflag:s0] =	ssyncset.done @!p0 $0x0  }
0xea: {  	[sflag:s0] =	ssyncadd.s32 @!p0 s1  }
0xeb: {  	[bflag:$0x3] =	sbarrier.arrive $0xFFFF  }
0xec: {  	_ =	shalt  }

</sc_bundles>
